<compile_context>
chip_gen: v7x
topology: tpu7x:2x2x1
jax: 0.10.2.dev20260603
libtpu: 0.0.44.dev20260713+nightly
codegen_flags: <defaults>
</compile_context>

<pallas_src>
import dataclasses

import jax
import jax.numpy as jnp
from jax import lax
from jax.experimental import pallas as pl
from jax.experimental.pallas import tpu as pltpu
from jax.experimental.pallas import tpu_sc as plsc

K = 100000
D = 128
Q = 16384

NC = 2
NS = 16
L = 16
NW = NC * NS
QPW = Q // NW
CHUNK = 64
NCHUNK = QPW // CHUNK
W = 32
KL1 = K // W
L1_STEPS = 12
L2_STEPS = 6
L1PW = 224
L1PAD = L1PW * NS
SRCW = L1PW * W


def _search_l1(x_v, l1_v, rvec_v, off):
    zvec = jnp.zeros((L,), jnp.int32)

    @plsc.parallel_loop(0, CHUNK, step=L, unroll=4)
    def _(i):
        xq = x_v[pl.ds(off + i, L)]
        c1 = jnp.zeros((L,), jnp.int32)
        bit = 1 << (L1_STEPS - 1)
        for _step in range(L1_STEPS):
            cand = c1 + bit
            gidx = jnp.minimum(cand, L1PAD) - 1
            xv = plsc.load_gather(l1_v, [gidx])
            ok = xv <= xq
            c1 = jnp.where(ok, cand, c1)
            bit >>= 1
        rvec_v[pl.ds(off + i, L)] = jnp.maximum(c1 - 1, 0)


def _search_l2(x_v, rvec_v, win, idx_v, off):
    lanes = jnp.arange(L, dtype=jnp.int32)

    @plsc.parallel_loop(0, CHUNK, step=L, unroll=4)
    def _(i):
        xq = x_v[pl.ds(off + i, L)]
        r = rvec_v[pl.ds(off + i, L)]
        qvec = lanes + i
        cnt = jnp.zeros((L,), jnp.int32)
        bit = 1 << (L2_STEPS - 1)
        for _step in range(L2_STEPS):
            cand = cnt + bit
            gidx = jnp.minimum(cand, W) - 1
            wv = plsc.load_gather(win, [qvec, gidx])
            ok = (cand <= W) & (wv <= xq)
            cnt = jnp.where(ok, cand, cnt)
            bit >>= 1
        idx = r * W + cnt
        idx_v[pl.ds(off + i, L)] = jnp.where(idx == 0, K - 1, idx - 1)


def _sc_kernel(xsw_hbm, ys_hbm, x_hbm, out_hbm,
               l1_v, stage_v, l1_loc_v, x_v, rvec_v, idx_v, wins, bufs, sh_l1,
               sem_in, sems_win, sems_g, sems_w):
    cid = lax.axis_index("c")
    sid = lax.axis_index("s")
    wid = sid * NC + cid
    base = wid * QPW

    h_x = pltpu.async_copy(x_hbm.at[pl.ds(base, QPW)], x_v, sem_in)
    j0 = sid * L1PW
    pltpu.sync_copy(xsw_hbm.at[pl.ds(j0, L1PW), :], stage_v)
    zv = jnp.zeros((L,), jnp.int32)
    lanes0 = jnp.arange(L, dtype=jnp.int32)

    @plsc.parallel_loop(0, L1PW, step=L, unroll=4)
    def _(i):
        l1_loc_v[pl.ds(i, L)] = plsc.load_gather(stage_v, [i + lanes0, zv])

    pltpu.sync_copy(l1_loc_v, sh_l1.at[pl.ds(j0, L1PW)])
    plsc.subcore_barrier()
    pltpu.async_copy(sh_l1, l1_v, sem_in).wait()
    h_x.wait()

    def fire_win(b, off):
        return pltpu.async_copy(
            xsw_hbm.at[rvec_v.at[pl.ds(off, CHUNK)]], wins.at[b],
            sems_win.at[b])

    def wait_win(b, off):
        pltpu.make_async_copy(
            xsw_hbm.at[rvec_v.at[pl.ds(off, CHUNK)]], wins.at[b],
            sems_win.at[b]).wait()

    def fire_gather(b, off):
        return pltpu.async_copy(
            ys_hbm.at[idx_v.at[pl.ds(off, CHUNK)]], bufs.at[b], sems_g.at[b])

    def wait_gather(b, off):
        pltpu.make_async_copy(
            ys_hbm.at[idx_v.at[pl.ds(off, CHUNK)]], bufs.at[b],
            sems_g.at[b]).wait()

    def fire_write(b, off):
        return pltpu.async_copy(
            bufs.at[b], out_hbm.at[pl.ds(base + off, CHUNK)], sems_w.at[b])

    def wait_write(b, off):
        pltpu.make_async_copy(
            bufs.at[b], out_hbm.at[pl.ds(base + off, CHUNK)], sems_w.at[b]).wait()

    _search_l1(x_v, l1_v, rvec_v, 0)
    fire_win(0, 0)

    @pl.loop(0, NCHUNK // 2)
    def _(p):
        c0 = 2 * p * CHUNK
        c1 = c0 + CHUNK

        @pl.when(p > 0)
        def _():
            wait_gather(1, c0 - CHUNK)
            fire_write(1, c0 - CHUNK)
        _search_l1(x_v, l1_v, rvec_v, c1)
        fire_win(1, c1)
        wait_win(0, c0)
        _search_l2(x_v, rvec_v, wins.at[0], idx_v, c0)

        @pl.when(p > 0)
        def _():
            wait_write(0, c0 - 2 * CHUNK)
        fire_gather(0, c0)

        @pl.when(p < NCHUNK // 2 - 1)
        def _():
            _search_l1(x_v, l1_v, rvec_v, c1 + CHUNK)
            fire_win(0, c1 + CHUNK)
        wait_win(1, c1)
        _search_l2(x_v, rvec_v, wins.at[1], idx_v, c1)
        wait_gather(0, c0)
        fire_write(0, c0)

        @pl.when(p > 0)
        def _():
            wait_write(1, c1 - 2 * CHUNK)
        fire_gather(1, c1)

    last = (NCHUNK - 1) * CHUNK
    wait_gather(1, last)
    fire_write(1, last)
    wait_write(0, last - CHUNK)
    wait_write(1, last)


def kernel(xs, ys, x):
    mesh = plsc.VectorSubcoreMesh(core_axis_name="c", subcore_axis_name="s")
    cp = pltpu.CompilerParams()
    if "needs_layout_passes" in pltpu.CompilerParams.__dataclass_fields__:
        cp = dataclasses.replace(cp, needs_layout_passes=False)
    if "use_tc_tiling_on_sc" in pltpu.CompilerParams.__dataclass_fields__:
        cp = dataclasses.replace(cp, use_tc_tiling_on_sc=False)
    run = pl.kernel(
        _sc_kernel,
        out_type=jax.ShapeDtypeStruct((Q, D), jnp.float32),
        mesh=mesh,
        scratch_types=[
            pltpu.VMEM((L1PAD,), jnp.float32),
            pltpu.VMEM((L1PW, W), jnp.float32),
            pltpu.VMEM((L1PW,), jnp.float32),
            pltpu.VMEM((QPW,), jnp.float32),
            pltpu.VMEM((QPW,), jnp.int32),
            pltpu.VMEM((QPW,), jnp.int32),
            pltpu.VMEM((2, CHUNK, W), jnp.float32),
            pltpu.VMEM((2, CHUNK, D), jnp.float32),
            pltpu.VMEM_SHARED((L1PAD,), jnp.float32),
            pltpu.SemaphoreType.DMA,
            pltpu.SemaphoreType.DMA((2,)),
            pltpu.SemaphoreType.DMA((2,)),
            pltpu.SemaphoreType.DMA((2,)),
        ],
        compiler_params=cp,
    )
    xs_pad = jnp.concatenate(
        [xs, jnp.full((L1PAD * W - K,), jnp.inf, jnp.float32)])
    return run(xs_pad.reshape(L1PAD, W), ys, x)

# --- scband reference (transcript-rebuilt; emitter-appended) ---
"""Pipeline reference for scband-piecewise-constant-interpolator-60928406061761 (READ-ONLY COPY).

The authoritative reference and input builder live on the scoring server;
editing this copy changes nothing except your own understanding.
"""

import jax, jax.numpy as jnp
import numpy as np

K = 100000  # number of breakpoints / knots
D = 128     # value dimension per knot
Q = 16384   # number of query points


def setup_inputs(seed: int = 0) -> dict:
    key = jax.random.key(seed)
    k1, k2, k3 = jax.random.split(key, 3)
    # xs must be sorted (monotonic breakpoints) for searchsorted correctness
    xs = jnp.sort(jax.random.uniform(k1, (K,), dtype=jnp.float32))
    ys = jax.random.normal(k2, (K, D), dtype=jnp.float32)
    # queries drawn from the same [0, 1) domain as the breakpoints
    x = jax.random.uniform(k3, (Q,), dtype=jnp.float32)
    return {"xs": xs, "ys": ys, "x": x}


def reference(xs, ys, x):
    # torch.searchsorted(self.xs, x, right=True) -> jnp.searchsorted side='right'
    idx = jnp.searchsorted(xs, x, side="right")
    i = idx - 1
    # torch tensor advanced indexing wraps negative indices (ys[-1] == last row);
    # replicate that wrap explicitly for queries below xs[0]
    i = jnp.where(i < 0, i + xs.shape[0], i)
    return jnp.take(ys, i, axis=0)

if __name__ == "__main__":
    import jax
    _d = setup_inputs()
    print(jax.jit(kernel)(*tuple(_d.values())))

</pallas_src>

<mosaic_0001>
#map = affine_map<(d0, d1) -> (0, 0)>
#map1 = affine_map<(d0, d1) -> (0)>
module attributes {stable_mosaic.version = 14 : i64} {
  func.func @_sc_kernel(%arg0: i32, %arg1: i32, %arg2: memref<3584x32xf32, #tpu.memory_space<hbm>>, %arg3: memref<100000x128xf32, #tpu.memory_space<hbm>>, %arg4: memref<16384xf32, #tpu.memory_space<hbm>>, %arg5: memref<16384x128xf32, #tpu.memory_space<hbm>>, %arg6: memref<3584xf32, #tpu.memory_space<vmem>>, %arg7: memref<224x32xf32, #tpu.memory_space<vmem>>, %arg8: memref<224xf32, #tpu.memory_space<vmem>>, %arg9: memref<512xf32, #tpu.memory_space<vmem>>, %arg10: memref<512xi32, #tpu.memory_space<vmem>>, %arg11: memref<512xi32, #tpu.memory_space<vmem>>, %arg12: memref<2x64x32xf32, #tpu.memory_space<vmem>>, %arg13: memref<2x64x128xf32, #tpu.memory_space<vmem>>, %arg14: memref<3584xf32, #tpu.memory_space<vmem_shared>>, %arg15: memref<!tpu.dma_semaphore, #tpu.memory_space<semaphore_mem>>, %arg16: memref<2x!tpu.dma_semaphore, #tpu.memory_space<semaphore_mem>>, %arg17: memref<2x!tpu.dma_semaphore, #tpu.memory_space<semaphore_mem>>, %arg18: memref<2x!tpu.dma_semaphore, #tpu.memory_space<semaphore_mem>>) attributes {dimension_semantics = [#tpu.dimension_semantics<core_parallel>, #tpu.dimension_semantics<subcore_parallel>], iteration_bounds = array<i64: 2, 16>, scalar_prefetch = 0 : i64, scratch_operands = 13 : i64, tpu.core_type = #tpu.core_type<sc_vector_subcore>, window_params = [{transform_indices = #map}, {transform_indices = #map}, {transform_indices = #map1}, {transform_indices = #map}]} {
    %mul3A = arith.constant 2 : i32
    %mul3A_0 = arith.muli %arg1, %mul3A : i32
    %add3A = arith.addi %mul3A_0, %arg0 : i32
    %mul3A_1 = arith.constant 512 : i32
    %mul3A_2 = arith.muli %add3A, %mul3A_1 : i32
    %dma_start3A = tpu.memref_slice %arg4[%mul3A_2] : memref<16384xf32, #tpu.memory_space<hbm>> -> memref<512xf32, #tpu.memory_space<hbm>>
    %dma_start3A_3 = tpu.memref_slice %arg4[%mul3A_2] : memref<16384xf32, #tpu.memory_space<hbm>> -> memref<512xf32, #tpu.memory_space<hbm>>
    tpu.enqueue_dma source(%dma_start3A_3 : memref<512xf32, #tpu.memory_space<hbm>>) target(%arg9 : memref<512xf32, #tpu.memory_space<vmem>>) target_semaphore(%arg15 : memref<!tpu.dma_semaphore, #tpu.memory_space<semaphore_mem>>)
    %mul3A_4 = arith.constant 224 : i32
    %mul3A_5 = arith.muli %arg1, %mul3A_4 : i32
    "tpu.region"() ({
      %run_scoped3A = tpu.sem_alloc : memref<!tpu.dma_semaphore, #tpu.memory_space<semaphore_mem>>
      %dma_start3A_99 = arith.constant 0 : i32
      %dma_start3A_100 = tpu.memref_slice %arg2[%mul3A_5, %dma_start3A_99] : memref<3584x32xf32, #tpu.memory_space<hbm>> -> memref<224x32xf32, #tpu.memory_space<hbm>>
      %dma_start3A_101 = arith.constant 0 : i32
      %dma_start3A_102 = tpu.memref_slice %arg2[%mul3A_5, %dma_start3A_101] : memref<3584x32xf32, #tpu.memory_space<hbm>> -> memref<224x32xf32, #tpu.memory_space<hbm>>
      tpu.enqueue_dma source(%dma_start3A_102 : memref<224x32xf32, #tpu.memory_space<hbm>>) target(%arg7 : memref<224x32xf32, #tpu.memory_space<vmem>>) target_semaphore(%run_scoped3A : memref<!tpu.dma_semaphore, #tpu.memory_space<semaphore_mem>>)
      %dma_wait3A_103 = arith.constant 0 : i32
      %dma_wait3A_104 = tpu.memref_slice %arg2[%mul3A_5, %dma_wait3A_103] : memref<3584x32xf32, #tpu.memory_space<hbm>> -> memref<224x32xf32, #tpu.memory_space<hbm>>
      %dma_wait3A_105 = arith.constant 0 : i32
      %dma_wait3A_106 = tpu.memref_slice %arg2[%mul3A_5, %dma_wait3A_105] : memref<3584x32xf32, #tpu.memory_space<hbm>> -> memref<224x32xf32, #tpu.memory_space<hbm>>
      tpu.wait_dma2 semaphore(%run_scoped3A : memref<!tpu.dma_semaphore, #tpu.memory_space<semaphore_mem>>) src(%dma_wait3A_106 : memref<224x32xf32, #tpu.memory_space<hbm>>) dst(%arg7 : memref<224x32xf32, #tpu.memory_space<vmem>>)
      tpu.yield
    }) : () -> ()
    %broadcast_in_dim3A = arith.constant 0 : i32
    %broadcast_in_dim3A_6 = vector.broadcast %broadcast_in_dim3A : i32 to vector<16xi32>
    %iota3A = tpu.iota {dimensions = array<i32: 0>} : vector<16xi32>
    %parallel_loop3A = arith.constant 0 : i32
    %parallel_loop3A_7 = arith.constant 224 : i32
    %parallel_loop3A_8 = arith.constant 16 : i32
    scf.for %parallel_loop3A_99 = %parallel_loop3A to %parallel_loop3A_7 step %parallel_loop3A_8  : i32 {
      %parallel_loop3A_100 = vector.broadcast %parallel_loop3A_99 : i32 to vector<16xi32>
      %parallel_loop3A_101 = arith.addi %parallel_loop3A_100, %iota3A : vector<16xi32>
      %parallel_loop3A_102 = tpu.vector_load_idx %arg7[%parallel_loop3A_101, %broadcast_in_dim3A_6] : memref<224x32xf32, #tpu.memory_space<vmem>>[vector<16xi32>, vector<16xi32>], vector<16xf32>,
      %parallel_loop3A_103 = arith.index_cast %parallel_loop3A_99 : i32 to index
      %parallel_loop3A_104 = tpu.vector_load %arg8[%parallel_loop3A_103] {strides = array<i32>} : memref<224xf32, #tpu.memory_space<vmem>>, vector<16xf32>,
      tpu.vector_store %arg8[%parallel_loop3A_103], %parallel_loop3A_102 {strides = array<i32>} : memref<224xf32, #tpu.memory_space<vmem>>, vector<16xf32>,
    } {sc.loop_unroll_factor = 4 : i64, sc.parallel_access}
    "tpu.region"() ({
      %run_scoped3A = tpu.sem_alloc : memref<!tpu.dma_semaphore, #tpu.memory_space<semaphore_mem>>
      %dma_start3A_99 = tpu.memref_slice %arg14[%mul3A_5] : memref<3584xf32, #tpu.memory_space<vmem_shared>> -> memref<224xf32, #tpu.memory_space<vmem_shared>>
      %dma_start3A_100 = tpu.memref_slice %arg14[%mul3A_5] : memref<3584xf32, #tpu.memory_space<vmem_shared>> -> memref<224xf32, #tpu.memory_space<vmem_shared>>
      tpu.enqueue_dma source(%arg8 : memref<224xf32, #tpu.memory_space<vmem>>) target(%dma_start3A_100 : memref<224xf32, #tpu.memory_space<vmem_shared>>) target_semaphore(%run_scoped3A : memref<!tpu.dma_semaphore, #tpu.memory_space<semaphore_mem>>)
      %dma_wait3A_101 = tpu.memref_slice %arg14[%mul3A_5] : memref<3584xf32, #tpu.memory_space<vmem_shared>> -> memref<224xf32, #tpu.memory_space<vmem_shared>>
      %dma_wait3A_102 = tpu.memref_slice %arg14[%mul3A_5] : memref<3584xf32, #tpu.memory_space<vmem_shared>> -> memref<224xf32, #tpu.memory_space<vmem_shared>>
      tpu.wait_dma2 semaphore(%run_scoped3A : memref<!tpu.dma_semaphore, #tpu.memory_space<semaphore_mem>>) src(%arg8 : memref<224xf32, #tpu.memory_space<vmem>>) dst(%dma_wait3A_102 : memref<224xf32, #tpu.memory_space<vmem_shared>>)
      tpu.yield
    }) : () -> ()
    %barrier3A = arith.constant 0 : index
    tpu.barrier barrier_id(%barrier3A)
    tpu.enqueue_dma source(%arg14 : memref<3584xf32, #tpu.memory_space<vmem_shared>>) target(%arg6 : memref<3584xf32, #tpu.memory_space<vmem>>) target_semaphore(%arg15 : memref<!tpu.dma_semaphore, #tpu.memory_space<semaphore_mem>>)
    tpu.wait_dma2 semaphore(%arg15 : memref<!tpu.dma_semaphore, #tpu.memory_space<semaphore_mem>>) src(%arg14 : memref<3584xf32, #tpu.memory_space<vmem_shared>>) dst(%arg6 : memref<3584xf32, #tpu.memory_space<vmem>>)
    %dma_wait3A = tpu.memref_slice %arg4[%mul3A_2] : memref<16384xf32, #tpu.memory_space<hbm>> -> memref<512xf32, #tpu.memory_space<hbm>>
    %dma_wait3A_9 = tpu.memref_slice %arg4[%mul3A_2] : memref<16384xf32, #tpu.memory_space<hbm>> -> memref<512xf32, #tpu.memory_space<hbm>>
    tpu.wait_dma2 semaphore(%arg15 : memref<!tpu.dma_semaphore, #tpu.memory_space<semaphore_mem>>) src(%dma_wait3A_9 : memref<512xf32, #tpu.memory_space<hbm>>) dst(%arg9 : memref<512xf32, #tpu.memory_space<vmem>>)
    %broadcast_in_dim3A_10 = arith.constant 0 : i32
    %broadcast_in_dim3A_11 = vector.broadcast %broadcast_in_dim3A_10 : i32 to vector<16xi32>
    %parallel_loop3A_12 = arith.constant 0 : i32
    %parallel_loop3A_13 = arith.constant 64 : i32
    %parallel_loop3A_14 = arith.constant 16 : i32
    scf.for %parallel_loop3A_99 = %parallel_loop3A_12 to %parallel_loop3A_13 step %parallel_loop3A_14  : i32 {
      %parallel_loop3A_100 = arith.constant 0 : i32
      %parallel_loop3A_101 = arith.addi %parallel_loop3A_100, %parallel_loop3A_99 : i32
      %parallel_loop3A_102 = arith.index_cast %parallel_loop3A_101 : i32 to index
      %parallel_loop3A_103 = tpu.vector_load %arg9[%parallel_loop3A_102] {strides = array<i32>} : memref<512xf32, #tpu.memory_space<vmem>>, vector<16xf32>,
      %parallel_loop3A_104 = arith.constant 0 : i32
      %parallel_loop3A_105 = vector.broadcast %parallel_loop3A_104 : i32 to vector<16xi32>
      %parallel_loop3A_106 = arith.constant 2048 : i32
      %parallel_loop3A_107 = vector.broadcast %parallel_loop3A_106 : i32 to vector<16xi32>
      %parallel_loop3A_108 = arith.addi %parallel_loop3A_105, %parallel_loop3A_107 : vector<16xi32>
      %parallel_loop3A_109 = arith.constant 3584 : i32
      %parallel_loop3A_110 = vector.broadcast %parallel_loop3A_109 : i32 to vector<16xi32>
      %parallel_loop3A_111 = arith.minsi %parallel_loop3A_108, %parallel_loop3A_110 : vector<16xi32>
      %parallel_loop3A_112 = arith.constant 1 : i32
      %parallel_loop3A_113 = vector.broadcast %parallel_loop3A_112 : i32 to vector<16xi32>
      %parallel_loop3A_114 = arith.subi %parallel_loop3A_111, %parallel_loop3A_113 : vector<16xi32>
      %parallel_loop3A_115 = tpu.vector_load_idx %arg6[%parallel_loop3A_114] : memref<3584xf32, #tpu.memory_space<vmem>>[vector<16xi32>], vector<16xf32>,
      %parallel_loop3A_116 = arith.cmpf ole, %parallel_loop3A_115, %parallel_loop3A_103 : vector<16xf32>
      %parallel_loop3A_117 = arith.select %parallel_loop3A_116, %parallel_loop3A_108, %parallel_loop3A_105 : vector<16xi1>, vector<16xi32>
      %parallel_loop3A_118 = arith.constant 1024 : i32
      %parallel_loop3A_119 = vector.broadcast %parallel_loop3A_118 : i32 to vector<16xi32>
      %parallel_loop3A_120 = arith.addi %parallel_loop3A_117, %parallel_loop3A_119 : vector<16xi32>
      %parallel_loop3A_121 = arith.constant 3584 : i32
      %parallel_loop3A_122 = vector.broadcast %parallel_loop3A_121 : i32 to vector<16xi32>
      %parallel_loop3A_123 = arith.minsi %parallel_loop3A_120, %parallel_loop3A_122 : vector<16xi32>
      %parallel_loop3A_124 = arith.constant 1 : i32
      %parallel_loop3A_125 = vector.broadcast %parallel_loop3A_124 : i32 to vector<16xi32>
      %parallel_loop3A_126 = arith.subi %parallel_loop3A_123, %parallel_loop3A_125 : vector<16xi32>
      %parallel_loop3A_127 = tpu.vector_load_idx %arg6[%parallel_loop3A_126] : memref<3584xf32, #tpu.memory_space<vmem>>[vector<16xi32>], vector<16xf32>,
      %parallel_loop3A_128 = arith.cmpf ole, %parallel_loop3A_127, %parallel_loop3A_103 : vector<16xf32>
      %parallel_loop3A_129 = arith.select %parallel_loop3A_128, %parallel_loop3A_120, %parallel_loop3A_117 : vector<16xi1>, vector<16xi32>
      %parallel_loop3A_130 = arith.constant 512 : i32
      %parallel_loop3A_131 = vector.broadcast %parallel_loop3A_130 : i32 to vector<16xi32>
      %parallel_loop3A_132 = arith.addi %parallel_loop3A_129, %parallel_loop3A_131 : vector<16xi32>
      %parallel_loop3A_133 = arith.constant 3584 : i32
      %parallel_loop3A_134 = vector.broadcast %parallel_loop3A_133 : i32 to vector<16xi32>
      %parallel_loop3A_135 = arith.minsi %parallel_loop3A_132, %parallel_loop3A_134 : vector<16xi32>
      %parallel_loop3A_136 = arith.constant 1 : i32
      %parallel_loop3A_137 = vector.broadcast %parallel_loop3A_136 : i32 to vector<16xi32>
      %parallel_loop3A_138 = arith.subi %parallel_loop3A_135, %parallel_loop3A_137 : vector<16xi32>
      %parallel_loop3A_139 = tpu.vector_load_idx %arg6[%parallel_loop3A_138] : memref<3584xf32, #tpu.memory_space<vmem>>[vector<16xi32>], vector<16xf32>,
      %parallel_loop3A_140 = arith.cmpf ole, %parallel_loop3A_139, %parallel_loop3A_103 : vector<16xf32>
      %parallel_loop3A_141 = arith.select %parallel_loop3A_140, %parallel_loop3A_132, %parallel_loop3A_129 : vector<16xi1>, vector<16xi32>
      %parallel_loop3A_142 = arith.constant 256 : i32
      %parallel_loop3A_143 = vector.broadcast %parallel_loop3A_142 : i32 to vector<16xi32>
      %parallel_loop3A_144 = arith.addi %parallel_loop3A_141, %parallel_loop3A_143 : vector<16xi32>
      %parallel_loop3A_145 = arith.constant 3584 : i32
      %parallel_loop3A_146 = vector.broadcast %parallel_loop3A_145 : i32 to vector<16xi32>
      %parallel_loop3A_147 = arith.minsi %parallel_loop3A_144, %parallel_loop3A_146 : vector<16xi32>
      %parallel_loop3A_148 = arith.constant 1 : i32
      %parallel_loop3A_149 = vector.broadcast %parallel_loop3A_148 : i32 to vector<16xi32>
      %parallel_loop3A_150 = arith.subi %parallel_loop3A_147, %parallel_loop3A_149 : vector<16xi32>
      %parallel_loop3A_151 = tpu.vector_load_idx %arg6[%parallel_loop3A_150] : memref<3584xf32, #tpu.memory_space<vmem>>[vector<16xi32>], vector<16xf32>,
      %parallel_loop3A_152 = arith.cmpf ole, %parallel_loop3A_151, %parallel_loop3A_103 : vector<16xf32>
      %parallel_loop3A_153 = arith.select %parallel_loop3A_152, %parallel_loop3A_144, %parallel_loop3A_141 : vector<16xi1>, vector<16xi32>
      %parallel_loop3A_154 = arith.constant 128 : i32
      %parallel_loop3A_155 = vector.broadcast %parallel_loop3A_154 : i32 to vector<16xi32>
      %parallel_loop3A_156 = arith.addi %parallel_loop3A_153, %parallel_loop3A_155 : vector<16xi32>
      %parallel_loop3A_157 = arith.constant 3584 : i32
      %parallel_loop3A_158 = vector.broadcast %parallel_loop3A_157 : i32 to vector<16xi32>
      %parallel_loop3A_159 = arith.minsi %parallel_loop3A_156, %parallel_loop3A_158 : vector<16xi32>
      %parallel_loop3A_160 = arith.constant 1 : i32
      %parallel_loop3A_161 = vector.broadcast %parallel_loop3A_160 : i32 to vector<16xi32>
      %parallel_loop3A_162 = arith.subi %parallel_loop3A_159, %parallel_loop3A_161 : vector<16xi32>
      %parallel_loop3A_163 = tpu.vector_load_idx %arg6[%parallel_loop3A_162] : memref<3584xf32, #tpu.memory_space<vmem>>[vector<16xi32>], vector<16xf32>,
      %parallel_loop3A_164 = arith.cmpf ole, %parallel_loop3A_163, %parallel_loop3A_103 : vector<16xf32>
      %parallel_loop3A_165 = arith.select %parallel_loop3A_164, %parallel_loop3A_156, %parallel_loop3A_153 : vector<16xi1>, vector<16xi32>
      %parallel_loop3A_166 = arith.constant 64 : i32
      %parallel_loop3A_167 = vector.broadcast %parallel_loop3A_166 : i32 to vector<16xi32>
      %parallel_loop3A_168 = arith.addi %parallel_loop3A_165, %parallel_loop3A_167 : vector<16xi32>
      %parallel_loop3A_169 = arith.constant 3584 : i32
      %parallel_loop3A_170 = vector.broadcast %parallel_loop3A_169 : i32 to vector<16xi32>
      %parallel_loop3A_171 = arith.minsi %parallel_loop3A_168, %parallel_loop3A_170 : vector<16xi32>
      %parallel_loop3A_172 = arith.constant 1 : i32
      %parallel_loop3A_173 = vector.broadcast %parallel_loop3A_172 : i32 to vector<16xi32>
      %parallel_loop3A_174 = arith.subi %parallel_loop3A_171, %parallel_loop3A_173 : vector<16xi32>
      %parallel_loop3A_175 = tpu.vector_load_idx %arg6[%parallel_loop3A_174] : memref<3584xf32, #tpu.memory_space<vmem>>[vector<16xi32>], vector<16xf32>,
      %parallel_loop3A_176 = arith.cmpf ole, %parallel_loop3A_175, %parallel_loop3A_103 : vector<16xf32>
      %parallel_loop3A_177 = arith.select %parallel_loop3A_176, %parallel_loop3A_168, %parallel_loop3A_165 : vector<16xi1>, vector<16xi32>
      %parallel_loop3A_178 = arith.constant 32 : i32
      %parallel_loop3A_179 = vector.broadcast %parallel_loop3A_178 : i32 to vector<16xi32>
      %parallel_loop3A_180 = arith.addi %parallel_loop3A_177, %parallel_loop3A_179 : vector<16xi32>
      %parallel_loop3A_181 = arith.constant 3584 : i32
      %parallel_loop3A_182 = vector.broadcast %parallel_loop3A_181 : i32 to vector<16xi32>
      %parallel_loop3A_183 = arith.minsi %parallel_loop3A_180, %parallel_loop3A_182 : vector<16xi32>
      %parallel_loop3A_184 = arith.constant 1 : i32
      %parallel_loop3A_185 = vector.broadcast %parallel_loop3A_184 : i32 to vector<16xi32>
      %parallel_loop3A_186 = arith.subi %parallel_loop3A_183, %parallel_loop3A_185 : vector<16xi32>
      %parallel_loop3A_187 = tpu.vector_load_idx %arg6[%parallel_loop3A_186] : memref<3584xf32, #tpu.memory_space<vmem>>[vector<16xi32>], vector<16xf32>,
      %parallel_loop3A_188 = arith.cmpf ole, %parallel_loop3A_187, %parallel_loop3A_103 : vector<16xf32>
      %parallel_loop3A_189 = arith.select %parallel_loop3A_188, %parallel_loop3A_180, %parallel_loop3A_177 : vector<16xi1>, vector<16xi32>
      %parallel_loop3A_190 = arith.constant 16 : i32
      %parallel_loop3A_191 = vector.broadcast %parallel_loop3A_190 : i32 to vector<16xi32>
      %parallel_loop3A_192 = arith.addi %parallel_loop3A_189, %parallel_loop3A_191 : vector<16xi32>
      %parallel_loop3A_193 = arith.constant 3584 : i32
      %parallel_loop3A_194 = vector.broadcast %parallel_loop3A_193 : i32 to vector<16xi32>
      %parallel_loop3A_195 = arith.minsi %parallel_loop3A_192, %parallel_loop3A_194 : vector<16xi32>
      %parallel_loop3A_196 = arith.constant 1 : i32
      %parallel_loop3A_197 = vector.broadcast %parallel_loop3A_196 : i32 to vector<16xi32>
      %parallel_loop3A_198 = arith.subi %parallel_loop3A_195, %parallel_loop3A_197 : vector<16xi32>
      %parallel_loop3A_199 = tpu.vector_load_idx %arg6[%parallel_loop3A_198] : memref<3584xf32, #tpu.memory_space<vmem>>[vector<16xi32>], vector<16xf32>,
      %parallel_loop3A_200 = arith.cmpf ole, %parallel_loop3A_199, %parallel_loop3A_103 : vector<16xf32>
      %parallel_loop3A_201 = arith.select %parallel_loop3A_200, %parallel_loop3A_192, %parallel_loop3A_189 : vector<16xi1>, vector<16xi32>
      %parallel_loop3A_202 = arith.constant 8 : i32
      %parallel_loop3A_203 = vector.broadcast %parallel_loop3A_202 : i32 to vector<16xi32>
      %parallel_loop3A_204 = arith.addi %parallel_loop3A_201, %parallel_loop3A_203 : vector<16xi32>
      %parallel_loop3A_205 = arith.constant 3584 : i32
      %parallel_loop3A_206 = vector.broadcast %parallel_loop3A_205 : i32 to vector<16xi32>
      %parallel_loop3A_207 = arith.minsi %parallel_loop3A_204, %parallel_loop3A_206 : vector<16xi32>
      %parallel_loop3A_208 = arith.constant 1 : i32
      %parallel_loop3A_209 = vector.broadcast %parallel_loop3A_208 : i32 to vector<16xi32>
      %parallel_loop3A_210 = arith.subi %parallel_loop3A_207, %parallel_loop3A_209 : vector<16xi32>
      %parallel_loop3A_211 = tpu.vector_load_idx %arg6[%parallel_loop3A_210] : memref<3584xf32, #tpu.memory_space<vmem>>[vector<16xi32>], vector<16xf32>,
      %parallel_loop3A_212 = arith.cmpf ole, %parallel_loop3A_211, %parallel_loop3A_103 : vector<16xf32>
      %parallel_loop3A_213 = arith.select %parallel_loop3A_212, %parallel_loop3A_204, %parallel_loop3A_201 : vector<16xi1>, vector<16xi32>
      %parallel_loop3A_214 = arith.constant 4 : i32
      %parallel_loop3A_215 = vector.broadcast %parallel_loop3A_214 : i32 to vector<16xi32>
      %parallel_loop3A_216 = arith.addi %parallel_loop3A_213, %parallel_loop3A_215 : vector<16xi32>
      %parallel_loop3A_217 = arith.constant 3584 : i32
      %parallel_loop3A_218 = vector.broadcast %parallel_loop3A_217 : i32 to vector<16xi32>
      %parallel_loop3A_219 = arith.minsi %parallel_loop3A_216, %parallel_loop3A_218 : vector<16xi32>
      %parallel_loop3A_220 = arith.constant 1 : i32
      %parallel_loop3A_221 = vector.broadcast %parallel_loop3A_220 : i32 to vector<16xi32>
      %parallel_loop3A_222 = arith.subi %parallel_loop3A_219, %parallel_loop3A_221 : vector<16xi32>
      %parallel_loop3A_223 = tpu.vector_load_idx %arg6[%parallel_loop3A_222] : memref<3584xf32, #tpu.memory_space<vmem>>[vector<16xi32>], vector<16xf32>,
      %parallel_loop3A_224 = arith.cmpf ole, %parallel_loop3A_223, %parallel_loop3A_103 : vector<16xf32>
      %parallel_loop3A_225 = arith.select %parallel_loop3A_224, %parallel_loop3A_216, %parallel_loop3A_213 : vector<16xi1>, vector<16xi32>
      %parallel_loop3A_226 = arith.constant 2 : i32
      %parallel_loop3A_227 = vector.broadcast %parallel_loop3A_226 : i32 to vector<16xi32>
      %parallel_loop3A_228 = arith.addi %parallel_loop3A_225, %parallel_loop3A_227 : vector<16xi32>
      %parallel_loop3A_229 = arith.constant 3584 : i32
      %parallel_loop3A_230 = vector.broadcast %parallel_loop3A_229 : i32 to vector<16xi32>
      %parallel_loop3A_231 = arith.minsi %parallel_loop3A_228, %parallel_loop3A_230 : vector<16xi32>
      %parallel_loop3A_232 = arith.constant 1 : i32
      %parallel_loop3A_233 = vector.broadcast %parallel_loop3A_232 : i32 to vector<16xi32>
      %parallel_loop3A_234 = arith.subi %parallel_loop3A_231, %parallel_loop3A_233 : vector<16xi32>
      %parallel_loop3A_235 = tpu.vector_load_idx %arg6[%parallel_loop3A_234] : memref<3584xf32, #tpu.memory_space<vmem>>[vector<16xi32>], vector<16xf32>,
      %parallel_loop3A_236 = arith.cmpf ole, %parallel_loop3A_235, %parallel_loop3A_103 : vector<16xf32>
      %parallel_loop3A_237 = arith.select %parallel_loop3A_236, %parallel_loop3A_228, %parallel_loop3A_225 : vector<16xi1>, vector<16xi32>
      %parallel_loop3A_238 = arith.constant 1 : i32
      %parallel_loop3A_239 = vector.broadcast %parallel_loop3A_238 : i32 to vector<16xi32>
      %parallel_loop3A_240 = arith.addi %parallel_loop3A_237, %parallel_loop3A_239 : vector<16xi32>
      %parallel_loop3A_241 = arith.constant 3584 : i32
      %parallel_loop3A_242 = vector.broadcast %parallel_loop3A_241 : i32 to vector<16xi32>
      %parallel_loop3A_243 = arith.minsi %parallel_loop3A_240, %parallel_loop3A_242 : vector<16xi32>
      %parallel_loop3A_244 = arith.constant 1 : i32
      %parallel_loop3A_245 = vector.broadcast %parallel_loop3A_244 : i32 to vector<16xi32>
      %parallel_loop3A_246 = arith.subi %parallel_loop3A_243, %parallel_loop3A_245 : vector<16xi32>
      %parallel_loop3A_247 = tpu.vector_load_idx %arg6[%parallel_loop3A_246] : memref<3584xf32, #tpu.memory_space<vmem>>[vector<16xi32>], vector<16xf32>,
      %parallel_loop3A_248 = arith.cmpf ole, %parallel_loop3A_247, %parallel_loop3A_103 : vector<16xf32>
      %parallel_loop3A_249 = arith.select %parallel_loop3A_248, %parallel_loop3A_240, %parallel_loop3A_237 : vector<16xi1>, vector<16xi32>
      %parallel_loop3A_250 = arith.constant 1 : i32
      %parallel_loop3A_251 = vector.broadcast %parallel_loop3A_250 : i32 to vector<16xi32>
      %parallel_loop3A_252 = arith.subi %parallel_loop3A_249, %parallel_loop3A_251 : vector<16xi32>
      %parallel_loop3A_253 = arith.constant 0 : i32
      %parallel_loop3A_254 = vector.broadcast %parallel_loop3A_253 : i32 to vector<16xi32>
      %parallel_loop3A_255 = arith.maxsi %parallel_loop3A_252, %parallel_loop3A_254 : vector<16xi32>
      %parallel_loop3A_256 = arith.constant 0 : i32
      %parallel_loop3A_257 = arith.addi %parallel_loop3A_256, %parallel_loop3A_99 : i32
      %parallel_loop3A_258 = arith.index_cast %parallel_loop3A_257 : i32 to index
      %parallel_loop3A_259 = tpu.vector_load %arg10[%parallel_loop3A_258] {strides = array<i32>} : memref<512xi32, #tpu.memory_space<vmem>>, vector<16xi32>,
      tpu.vector_store %arg10[%parallel_loop3A_258], %parallel_loop3A_255 {strides = array<i32>} : memref<512xi32, #tpu.memory_space<vmem>>, vector<16xi32>,
    } {sc.loop_unroll_factor = 4 : i64, sc.parallel_access}
    %dma_start3A_15 = arith.constant 0 : i32
    %dma_start3A_16 = arith.constant 0 : i32
    %dma_start3A_17 = arith.constant 0 : i32
    %dma_start3A_18 = arith.constant 0 : i32
    %dma_start3A_19 = tpu.memref_slice %arg12[%dma_start3A_15, %dma_start3A_17, %dma_start3A_18] : memref<2x64x32xf32, #tpu.memory_space<vmem>> -> memref<1x64x32xf32, #tpu.memory_space<vmem>>
    %dma_start3A_20 = tpu.memref_squeeze %dma_start3A_19 : memref<1x64x32xf32, #tpu.memory_space<vmem>> -> memref<64x32xf32, #tpu.memory_space<vmem>>
    %dma_start3A_21 = arith.constant 0 : i32
    %dma_start3A_22 = tpu.memref_slice %arg10[%dma_start3A_21] : memref<512xi32, #tpu.memory_space<vmem>> -> memref<64xi32, #tpu.memory_space<vmem>>
    %dma_start3A_23 = arith.constant 0 : i32
    %dma_start3A_24 = arith.constant 0 : i32
    %dma_start3A_25 = tpu.memref_slice %arg2[%dma_start3A_23, %dma_start3A_24] : memref<3584x32xf32, #tpu.memory_space<hbm>> -> memref<3584x32xf32, #tpu.memory_space<hbm>>
    %dma_start3A_26 = tpu.memref_slice %arg16[%dma_start3A_16] : memref<2x!tpu.dma_semaphore, #tpu.memory_space<semaphore_mem>> -> memref<1x!tpu.dma_semaphore, #tpu.memory_space<semaphore_mem>>
    %dma_start3A_27 = tpu.memref_squeeze %dma_start3A_26 : memref<1x!tpu.dma_semaphore, #tpu.memory_space<semaphore_mem>> -> memref<!tpu.dma_semaphore, #tpu.memory_space<semaphore_mem>>
    tpu.enqueue_indirect_dma source(%dma_start3A_25 : memref<3584x32xf32, #tpu.memory_space<hbm>>) target(%dma_start3A_20 : memref<64x32xf32, #tpu.memory_space<vmem>>) offsets(%dma_start3A_22 : memref<64xi32, #tpu.memory_space<vmem>>) semaphore(%dma_start3A_27 : memref<!tpu.dma_semaphore, #tpu.memory_space<semaphore_mem>>)
    %scan3A = arith.constant 0 : i32
    %scan3A_28 = arith.constant 4 : i32
    %scan3A_29 = arith.addi %scan3A, %scan3A_28 : i32
    %scan3A_30 = arith.constant 1 : i32
    scf.for %scan3A_99 = %scan3A to %scan3A_29 step %scan3A_30  : i32 {
      %mul3A_100 = arith.constant 1 : i32
      %mul3A_101 = arith.muli %scan3A_99, %mul3A_100 : i32
      %add3A_102 = arith.constant 0 : i32
      %add3A_103 = arith.addi %add3A_102, %mul3A_101 : i32
      %mul3A_104 = arith.constant 2 : i32
      %mul3A_105 = arith.muli %mul3A_104, %add3A_103 : i32
      %mul3A_106 = arith.constant 64 : i32
      %mul3A_107 = arith.muli %mul3A_105, %mul3A_106 : i32
      %add3A_108 = arith.constant 64 : i32
      %add3A_109 = arith.addi %mul3A_107, %add3A_108 : i32
      %gt3A = arith.constant 0 : i32
      %gt3A_110 = arith.cmpi sgt, %add3A_103, %gt3A : i32
      %convert_element_type3A = arith.extui %gt3A_110 : i1 to i32
      %cond3A = arith.constant 0 : i32
      %cond3A_111 = arith.cmpi ne, %convert_element_type3A, %cond3A : i32
      scf.if %cond3A_111 {
        %sub3A = arith.constant 64 : i32
        %sub3A_230 = arith.subi %mul3A_107, %sub3A : i32
        %dma_wait3A_231 = arith.constant 1 : i32
        %dma_wait3A_232 = arith.constant 1 : i32
        %dma_wait3A_233 = arith.constant 0 : i32
        %dma_wait3A_234 = arith.constant 0 : i32
        %dma_wait3A_235 = tpu.memref_slice %arg13[%dma_wait3A_231, %dma_wait3A_233, %dma_wait3A_234] : memref<2x64x128xf32, #tpu.memory_space<vmem>> -> memref<1x64x128xf32, #tpu.memory_space<vmem>>
        %dma_wait3A_236 = tpu.memref_squeeze %dma_wait3A_235 : memref<1x64x128xf32, #tpu.memory_space<vmem>> -> memref<64x128xf32, #tpu.memory_space<vmem>>
        %dma_wait3A_237 = tpu.memref_slice %arg11[%sub3A_230] : memref<512xi32, #tpu.memory_space<vmem>> -> memref<64xi32, #tpu.memory_space<vmem>>
        %dma_wait3A_238 = arith.constant 0 : i32
        %dma_wait3A_239 = arith.constant 0 : i32
        %dma_wait3A_240 = tpu.memref_slice %arg3[%dma_wait3A_238, %dma_wait3A_239] : memref<100000x128xf32, #tpu.memory_space<hbm>> -> memref<100000x128xf32, #tpu.memory_space<hbm>>
        %dma_wait3A_241 = tpu.memref_slice %arg17[%dma_wait3A_232] : memref<2x!tpu.dma_semaphore, #tpu.memory_space<semaphore_mem>> -> memref<1x!tpu.dma_semaphore, #tpu.memory_space<semaphore_mem>>
        %dma_wait3A_242 = tpu.memref_squeeze %dma_wait3A_241 : memref<1x!tpu.dma_semaphore, #tpu.memory_space<semaphore_mem>> -> memref<!tpu.dma_semaphore, #tpu.memory_space<semaphore_mem>>
        tpu.wait_indirect_dma semaphore(%dma_wait3A_242 : memref<!tpu.dma_semaphore, #tpu.memory_space<semaphore_mem>>) src(%dma_wait3A_240 : memref<100000x128xf32, #tpu.memory_space<hbm>>) dst(%dma_wait3A_236 : memref<64x128xf32, #tpu.memory_space<vmem>>)
        %sub3A_243 = arith.constant 64 : i32
        %sub3A_244 = arith.subi %mul3A_107, %sub3A_243 : i32
        %add3A_245 = arith.addi %mul3A_2, %sub3A_244 : i32
        %dma_start3A_246 = arith.constant 1 : i32
        %dma_start3A_247 = arith.constant 1 : i32
        %dma_start3A_248 = arith.constant 0 : i32
        %dma_start3A_249 = arith.constant 0 : i32
        %dma_start3A_250 = tpu.memref_slice %arg13[%dma_start3A_246, %dma_start3A_248, %dma_start3A_249] : memref<2x64x128xf32, #tpu.memory_space<vmem>> -> memref<1x64x128xf32, #tpu.memory_space<vmem>>
        %dma_start3A_251 = tpu.memref_squeeze %dma_start3A_250 : memref<1x64x128xf32, #tpu.memory_space<vmem>> -> memref<64x128xf32, #tpu.memory_space<vmem>>
        %dma_start3A_252 = arith.constant 0 : i32
        %dma_start3A_253 = tpu.memref_slice %arg5[%add3A_245, %dma_start3A_252] : memref<16384x128xf32, #tpu.memory_space<hbm>> -> memref<64x128xf32, #tpu.memory_space<hbm>>
        %dma_start3A_254 = tpu.memref_slice %arg18[%dma_start3A_247] : memref<2x!tpu.dma_semaphore, #tpu.memory_space<semaphore_mem>> -> memref<1x!tpu.dma_semaphore, #tpu.memory_space<semaphore_mem>>
        %dma_start3A_255 = tpu.memref_squeeze %dma_start3A_254 : memref<1x!tpu.dma_semaphore, #tpu.memory_space<semaphore_mem>> -> memref<!tpu.dma_semaphore, #tpu.memory_space<semaphore_mem>>
        %dma_start3A_256 = arith.constant 0 : i32
        %dma_start3A_257 = tpu.memref_slice %arg5[%add3A_245, %dma_start3A_256] : memref<16384x128xf32, #tpu.memory_space<hbm>> -> memref<64x128xf32, #tpu.memory_space<hbm>>
        %dma_start3A_258 = arith.constant 0 : i32
        %dma_start3A_259 = arith.constant 0 : i32
        %dma_start3A_260 = tpu.memref_slice %arg13[%dma_start3A_246, %dma_start3A_258, %dma_start3A_259] : memref<2x64x128xf32, #tpu.memory_space<vmem>> -> memref<1x64x128xf32, #tpu.memory_space<vmem>>
        %dma_start3A_261 = tpu.memref_squeeze %dma_start3A_260 : memref<1x64x128xf32, #tpu.memory_space<vmem>> -> memref<64x128xf32, #tpu.memory_space<vmem>>
        tpu.enqueue_dma source(%dma_start3A_261 : memref<64x128xf32, #tpu.memory_space<vmem>>) target(%dma_start3A_257 : memref<64x128xf32, #tpu.memory_space<hbm>>) target_semaphore(%dma_start3A_255 : memref<!tpu.dma_semaphore, #tpu.memory_space<semaphore_mem>>)
      } else {
      }
      %broadcast_in_dim3A_112 = arith.constant 0 : i32
      %broadcast_in_dim3A_113 = vector.broadcast %broadcast_in_dim3A_112 : i32 to vector<16xi32>
      %parallel_loop3A_114 = arith.constant 0 : i32
      %parallel_loop3A_115 = arith.constant 64 : i32
      %parallel_loop3A_116 = arith.constant 16 : i32
      scf.for %parallel_loop3A_230 = %parallel_loop3A_114 to %parallel_loop3A_115 step %parallel_loop3A_116  : i32 {
        %parallel_loop3A_231 = arith.addi %add3A_109, %parallel_loop3A_230 : i32
        %parallel_loop3A_232 = arith.index_cast %parallel_loop3A_231 : i32 to index
        %parallel_loop3A_233 = tpu.vector_load %arg9[%parallel_loop3A_232] {strides = array<i32>} : memref<512xf32, #tpu.memory_space<vmem>>, vector<16xf32>,
        %parallel_loop3A_234 = arith.constant 0 : i32
        %parallel_loop3A_235 = vector.broadcast %parallel_loop3A_234 : i32 to vector<16xi32>
        %parallel_loop3A_236 = arith.constant 2048 : i32
        %parallel_loop3A_237 = vector.broadcast %parallel_loop3A_236 : i32 to vector<16xi32>
        %parallel_loop3A_238 = arith.addi %parallel_loop3A_235, %parallel_loop3A_237 : vector<16xi32>
        %parallel_loop3A_239 = arith.constant 3584 : i32
        %parallel_loop3A_240 = vector.broadcast %parallel_loop3A_239 : i32 to vector<16xi32>
        %parallel_loop3A_241 = arith.minsi %parallel_loop3A_238, %parallel_loop3A_240 : vector<16xi32>
        %parallel_loop3A_242 = arith.constant 1 : i32
        %parallel_loop3A_243 = vector.broadcast %parallel_loop3A_242 : i32 to vector<16xi32>
        %parallel_loop3A_244 = arith.subi %parallel_loop3A_241, %parallel_loop3A_243 : vector<16xi32>
        %parallel_loop3A_245 = tpu.vector_load_idx %arg6[%parallel_loop3A_244] : memref<3584xf32, #tpu.memory_space<vmem>>[vector<16xi32>], vector<16xf32>,
        %parallel_loop3A_246 = arith.cmpf ole, %parallel_loop3A_245, %parallel_loop3A_233 : vector<16xf32>
        %parallel_loop3A_247 = arith.select %parallel_loop3A_246, %parallel_loop3A_238, %parallel_loop3A_235 : vector<16xi1>, vector<16xi32>
        %parallel_loop3A_248 = arith.constant 1024 : i32
        %parallel_loop3A_249 = vector.broadcast %parallel_loop3A_248 : i32 to vector<16xi32>
        %parallel_loop3A_250 = arith.addi %parallel_loop3A_247, %parallel_loop3A_249 : vector<16xi32>
        %parallel_loop3A_251 = arith.constant 3584 : i32
        %parallel_loop3A_252 = vector.broadcast %parallel_loop3A_251 : i32 to vector<16xi32>
        %parallel_loop3A_253 = arith.minsi %parallel_loop3A_250, %parallel_loop3A_252 : vector<16xi32>
        %parallel_loop3A_254 = arith.constant 1 : i32
        %parallel_loop3A_255 = vector.broadcast %parallel_loop3A_254 : i32 to vector<16xi32>
        %parallel_loop3A_256 = arith.subi %parallel_loop3A_253, %parallel_loop3A_255 : vector<16xi32>
        %parallel_loop3A_257 = tpu.vector_load_idx %arg6[%parallel_loop3A_256] : memref<3584xf32, #tpu.memory_space<vmem>>[vector<16xi32>], vector<16xf32>,
        %parallel_loop3A_258 = arith.cmpf ole, %parallel_loop3A_257, %parallel_loop3A_233 : vector<16xf32>
        %parallel_loop3A_259 = arith.select %parallel_loop3A_258, %parallel_loop3A_250, %parallel_loop3A_247 : vector<16xi1>, vector<16xi32>
        %parallel_loop3A_260 = arith.constant 512 : i32
        %parallel_loop3A_261 = vector.broadcast %parallel_loop3A_260 : i32 to vector<16xi32>
        %parallel_loop3A_262 = arith.addi %parallel_loop3A_259, %parallel_loop3A_261 : vector<16xi32>
        %parallel_loop3A_263 = arith.constant 3584 : i32
        %parallel_loop3A_264 = vector.broadcast %parallel_loop3A_263 : i32 to vector<16xi32>
        %parallel_loop3A_265 = arith.minsi %parallel_loop3A_262, %parallel_loop3A_264 : vector<16xi32>
        %parallel_loop3A_266 = arith.constant 1 : i32
        %parallel_loop3A_267 = vector.broadcast %parallel_loop3A_266 : i32 to vector<16xi32>
        %parallel_loop3A_268 = arith.subi %parallel_loop3A_265, %parallel_loop3A_267 : vector<16xi32>
        %parallel_loop3A_269 = tpu.vector_load_idx %arg6[%parallel_loop3A_268] : memref<3584xf32, #tpu.memory_space<vmem>>[vector<16xi32>], vector<16xf32>,
        %parallel_loop3A_270 = arith.cmpf ole, %parallel_loop3A_269, %parallel_loop3A_233 : vector<16xf32>
        %parallel_loop3A_271 = arith.select %parallel_loop3A_270, %parallel_loop3A_262, %parallel_loop3A_259 : vector<16xi1>, vector<16xi32>
        %parallel_loop3A_272 = arith.constant 256 : i32
        %parallel_loop3A_273 = vector.broadcast %parallel_loop3A_272 : i32 to vector<16xi32>
        %parallel_loop3A_274 = arith.addi %parallel_loop3A_271, %parallel_loop3A_273 : vector<16xi32>
        %parallel_loop3A_275 = arith.constant 3584 : i32
        %parallel_loop3A_276 = vector.broadcast %parallel_loop3A_275 : i32 to vector<16xi32>
        %parallel_loop3A_277 = arith.minsi %parallel_loop3A_274, %parallel_loop3A_276 : vector<16xi32>
        %parallel_loop3A_278 = arith.constant 1 : i32
        %parallel_loop3A_279 = vector.broadcast %parallel_loop3A_278 : i32 to vector<16xi32>
        %parallel_loop3A_280 = arith.subi %parallel_loop3A_277, %parallel_loop3A_279 : vector<16xi32>
        %parallel_loop3A_281 = tpu.vector_load_idx %arg6[%parallel_loop3A_280] : memref<3584xf32, #tpu.memory_space<vmem>>[vector<16xi32>], vector<16xf32>,
        %parallel_loop3A_282 = arith.cmpf ole, %parallel_loop3A_281, %parallel_loop3A_233 : vector<16xf32>
        %parallel_loop3A_283 = arith.select %parallel_loop3A_282, %parallel_loop3A_274, %parallel_loop3A_271 : vector<16xi1>, vector<16xi32>
        %parallel_loop3A_284 = arith.constant 128 : i32
        %parallel_loop3A_285 = vector.broadcast %parallel_loop3A_284 : i32 to vector<16xi32>
        %parallel_loop3A_286 = arith.addi %parallel_loop3A_283, %parallel_loop3A_285 : vector<16xi32>
        %parallel_loop3A_287 = arith.constant 3584 : i32
        %parallel_loop3A_288 = vector.broadcast %parallel_loop3A_287 : i32 to vector<16xi32>
        %parallel_loop3A_289 = arith.minsi %parallel_loop3A_286, %parallel_loop3A_288 : vector<16xi32>
        %parallel_loop3A_290 = arith.constant 1 : i32
        %parallel_loop3A_291 = vector.broadcast %parallel_loop3A_290 : i32 to vector<16xi32>
        %parallel_loop3A_292 = arith.subi %parallel_loop3A_289, %parallel_loop3A_291 : vector<16xi32>
        %parallel_loop3A_293 = tpu.vector_load_idx %arg6[%parallel_loop3A_292] : memref<3584xf32, #tpu.memory_space<vmem>>[vector<16xi32>], vector<16xf32>,
        %parallel_loop3A_294 = arith.cmpf ole, %parallel_loop3A_293, %parallel_loop3A_233 : vector<16xf32>
        %parallel_loop3A_295 = arith.select %parallel_loop3A_294, %parallel_loop3A_286, %parallel_loop3A_283 : vector<16xi1>, vector<16xi32>
        %parallel_loop3A_296 = arith.constant 64 : i32
        %parallel_loop3A_297 = vector.broadcast %parallel_loop3A_296 : i32 to vector<16xi32>
        %parallel_loop3A_298 = arith.addi %parallel_loop3A_295, %parallel_loop3A_297 : vector<16xi32>
        %parallel_loop3A_299 = arith.constant 3584 : i32
        %parallel_loop3A_300 = vector.broadcast %parallel_loop3A_299 : i32 to vector<16xi32>
        %parallel_loop3A_301 = arith.minsi %parallel_loop3A_298, %parallel_loop3A_300 : vector<16xi32>
        %parallel_loop3A_302 = arith.constant 1 : i32
        %parallel_loop3A_303 = vector.broadcast %parallel_loop3A_302 : i32 to vector<16xi32>
        %parallel_loop3A_304 = arith.subi %parallel_loop3A_301, %parallel_loop3A_303 : vector<16xi32>
        %parallel_loop3A_305 = tpu.vector_load_idx %arg6[%parallel_loop3A_304] : memref<3584xf32, #tpu.memory_space<vmem>>[vector<16xi32>], vector<16xf32>,
        %parallel_loop3A_306 = arith.cmpf ole, %parallel_loop3A_305, %parallel_loop3A_233 : vector<16xf32>
        %parallel_loop3A_307 = arith.select %parallel_loop3A_306, %parallel_loop3A_298, %parallel_loop3A_295 : vector<16xi1>, vector<16xi32>
        %parallel_loop3A_308 = arith.constant 32 : i32
        %parallel_loop3A_309 = vector.broadcast %parallel_loop3A_308 : i32 to vector<16xi32>
        %parallel_loop3A_310 = arith.addi %parallel_loop3A_307, %parallel_loop3A_309 : vector<16xi32>
        %parallel_loop3A_311 = arith.constant 3584 : i32
        %parallel_loop3A_312 = vector.broadcast %parallel_loop3A_311 : i32 to vector<16xi32>
        %parallel_loop3A_313 = arith.minsi %parallel_loop3A_310, %parallel_loop3A_312 : vector<16xi32>
        %parallel_loop3A_314 = arith.constant 1 : i32
        %parallel_loop3A_315 = vector.broadcast %parallel_loop3A_314 : i32 to vector<16xi32>
        %parallel_loop3A_316 = arith.subi %parallel_loop3A_313, %parallel_loop3A_315 : vector<16xi32>
        %parallel_loop3A_317 = tpu.vector_load_idx %arg6[%parallel_loop3A_316] : memref<3584xf32, #tpu.memory_space<vmem>>[vector<16xi32>], vector<16xf32>,
        %parallel_loop3A_318 = arith.cmpf ole, %parallel_loop3A_317, %parallel_loop3A_233 : vector<16xf32>
        %parallel_loop3A_319 = arith.select %parallel_loop3A_318, %parallel_loop3A_310, %parallel_loop3A_307 : vector<16xi1>, vector<16xi32>
        %parallel_loop3A_320 = arith.constant 16 : i32
        %parallel_loop3A_321 = vector.broadcast %parallel_loop3A_320 : i32 to vector<16xi32>
        %parallel_loop3A_322 = arith.addi %parallel_loop3A_319, %parallel_loop3A_321 : vector<16xi32>
        %parallel_loop3A_323 = arith.constant 3584 : i32
        %parallel_loop3A_324 = vector.broadcast %parallel_loop3A_323 : i32 to vector<16xi32>
        %parallel_loop3A_325 = arith.minsi %parallel_loop3A_322, %parallel_loop3A_324 : vector<16xi32>
        %parallel_loop3A_326 = arith.constant 1 : i32
        %parallel_loop3A_327 = vector.broadcast %parallel_loop3A_326 : i32 to vector<16xi32>
        %parallel_loop3A_328 = arith.subi %parallel_loop3A_325, %parallel_loop3A_327 : vector<16xi32>
        %parallel_loop3A_329 = tpu.vector_load_idx %arg6[%parallel_loop3A_328] : memref<3584xf32, #tpu.memory_space<vmem>>[vector<16xi32>], vector<16xf32>,
        %parallel_loop3A_330 = arith.cmpf ole, %parallel_loop3A_329, %parallel_loop3A_233 : vector<16xf32>
        %parallel_loop3A_331 = arith.select %parallel_loop3A_330, %parallel_loop3A_322, %parallel_loop3A_319 : vector<16xi1>, vector<16xi32>
        %parallel_loop3A_332 = arith.constant 8 : i32
        %parallel_loop3A_333 = vector.broadcast %parallel_loop3A_332 : i32 to vector<16xi32>
        %parallel_loop3A_334 = arith.addi %parallel_loop3A_331, %parallel_loop3A_333 : vector<16xi32>
        %parallel_loop3A_335 = arith.constant 3584 : i32
        %parallel_loop3A_336 = vector.broadcast %parallel_loop3A_335 : i32 to vector<16xi32>
        %parallel_loop3A_337 = arith.minsi %parallel_loop3A_334, %parallel_loop3A_336 : vector<16xi32>
        %parallel_loop3A_338 = arith.constant 1 : i32
        %parallel_loop3A_339 = vector.broadcast %parallel_loop3A_338 : i32 to vector<16xi32>
        %parallel_loop3A_340 = arith.subi %parallel_loop3A_337, %parallel_loop3A_339 : vector<16xi32>
        %parallel_loop3A_341 = tpu.vector_load_idx %arg6[%parallel_loop3A_340] : memref<3584xf32, #tpu.memory_space<vmem>>[vector<16xi32>], vector<16xf32>,
        %parallel_loop3A_342 = arith.cmpf ole, %parallel_loop3A_341, %parallel_loop3A_233 : vector<16xf32>
        %parallel_loop3A_343 = arith.select %parallel_loop3A_342, %parallel_loop3A_334, %parallel_loop3A_331 : vector<16xi1>, vector<16xi32>
        %parallel_loop3A_344 = arith.constant 4 : i32
        %parallel_loop3A_345 = vector.broadcast %parallel_loop3A_344 : i32 to vector<16xi32>
        %parallel_loop3A_346 = arith.addi %parallel_loop3A_343, %parallel_loop3A_345 : vector<16xi32>
        %parallel_loop3A_347 = arith.constant 3584 : i32
        %parallel_loop3A_348 = vector.broadcast %parallel_loop3A_347 : i32 to vector<16xi32>
        %parallel_loop3A_349 = arith.minsi %parallel_loop3A_346, %parallel_loop3A_348 : vector<16xi32>
        %parallel_loop3A_350 = arith.constant 1 : i32
        %parallel_loop3A_351 = vector.broadcast %parallel_loop3A_350 : i32 to vector<16xi32>
        %parallel_loop3A_352 = arith.subi %parallel_loop3A_349, %parallel_loop3A_351 : vector<16xi32>
        %parallel_loop3A_353 = tpu.vector_load_idx %arg6[%parallel_loop3A_352] : memref<3584xf32, #tpu.memory_space<vmem>>[vector<16xi32>], vector<16xf32>,
        %parallel_loop3A_354 = arith.cmpf ole, %parallel_loop3A_353, %parallel_loop3A_233 : vector<16xf32>
        %parallel_loop3A_355 = arith.select %parallel_loop3A_354, %parallel_loop3A_346, %parallel_loop3A_343 : vector<16xi1>, vector<16xi32>
        %parallel_loop3A_356 = arith.constant 2 : i32
        %parallel_loop3A_357 = vector.broadcast %parallel_loop3A_356 : i32 to vector<16xi32>
        %parallel_loop3A_358 = arith.addi %parallel_loop3A_355, %parallel_loop3A_357 : vector<16xi32>
        %parallel_loop3A_359 = arith.constant 3584 : i32
        %parallel_loop3A_360 = vector.broadcast %parallel_loop3A_359 : i32 to vector<16xi32>
        %parallel_loop3A_361 = arith.minsi %parallel_loop3A_358, %parallel_loop3A_360 : vector<16xi32>
        %parallel_loop3A_362 = arith.constant 1 : i32
        %parallel_loop3A_363 = vector.broadcast %parallel_loop3A_362 : i32 to vector<16xi32>
        %parallel_loop3A_364 = arith.subi %parallel_loop3A_361, %parallel_loop3A_363 : vector<16xi32>
        %parallel_loop3A_365 = tpu.vector_load_idx %arg6[%parallel_loop3A_364] : memref<3584xf32, #tpu.memory_space<vmem>>[vector<16xi32>], vector<16xf32>,
        %parallel_loop3A_366 = arith.cmpf ole, %parallel_loop3A_365, %parallel_loop3A_233 : vector<16xf32>
        %parallel_loop3A_367 = arith.select %parallel_loop3A_366, %parallel_loop3A_358, %parallel_loop3A_355 : vector<16xi1>, vector<16xi32>
        %parallel_loop3A_368 = arith.constant 1 : i32
        %parallel_loop3A_369 = vector.broadcast %parallel_loop3A_368 : i32 to vector<16xi32>
        %parallel_loop3A_370 = arith.addi %parallel_loop3A_367, %parallel_loop3A_369 : vector<16xi32>
        %parallel_loop3A_371 = arith.constant 3584 : i32
        %parallel_loop3A_372 = vector.broadcast %parallel_loop3A_371 : i32 to vector<16xi32>
        %parallel_loop3A_373 = arith.minsi %parallel_loop3A_370, %parallel_loop3A_372 : vector<16xi32>
        %parallel_loop3A_374 = arith.constant 1 : i32
        %parallel_loop3A_375 = vector.broadcast %parallel_loop3A_374 : i32 to vector<16xi32>
        %parallel_loop3A_376 = arith.subi %parallel_loop3A_373, %parallel_loop3A_375 : vector<16xi32>
        %parallel_loop3A_377 = tpu.vector_load_idx %arg6[%parallel_loop3A_376] : memref<3584xf32, #tpu.memory_space<vmem>>[vector<16xi32>], vector<16xf32>,
        %parallel_loop3A_378 = arith.cmpf ole, %parallel_loop3A_377, %parallel_loop3A_233 : vector<16xf32>
        %parallel_loop3A_379 = arith.select %parallel_loop3A_378, %parallel_loop3A_370, %parallel_loop3A_367 : vector<16xi1>, vector<16xi32>
        %parallel_loop3A_380 = arith.constant 1 : i32
        %parallel_loop3A_381 = vector.broadcast %parallel_loop3A_380 : i32 to vector<16xi32>
        %parallel_loop3A_382 = arith.subi %parallel_loop3A_379, %parallel_loop3A_381 : vector<16xi32>
        %parallel_loop3A_383 = arith.constant 0 : i32
        %parallel_loop3A_384 = vector.broadcast %parallel_loop3A_383 : i32 to vector<16xi32>
        %parallel_loop3A_385 = arith.maxsi %parallel_loop3A_382, %parallel_loop3A_384 : vector<16xi32>
        %parallel_loop3A_386 = arith.addi %add3A_109, %parallel_loop3A_230 : i32
        %parallel_loop3A_387 = arith.index_cast %parallel_loop3A_386 : i32 to index
        %parallel_loop3A_388 = tpu.vector_load %arg10[%parallel_loop3A_387] {strides = array<i32>} : memref<512xi32, #tpu.memory_space<vmem>>, vector<16xi32>,
        tpu.vector_store %arg10[%parallel_loop3A_387], %parallel_loop3A_385 {strides = array<i32>} : memref<512xi32, #tpu.memory_space<vmem>>, vector<16xi32>,
      } {sc.loop_unroll_factor = 4 : i64, sc.parallel_access}
      %dma_start3A_117 = arith.constant 1 : i32
      %dma_start3A_118 = arith.constant 1 : i32
      %dma_start3A_119 = arith.constant 0 : i32
      %dma_start3A_120 = arith.constant 0 : i32
      %dma_start3A_121 = tpu.memref_slice %arg12[%dma_start3A_117, %dma_start3A_119, %dma_start3A_120] : memref<2x64x32xf32, #tpu.memory_space<vmem>> -> memref<1x64x32xf32, #tpu.memory_space<vmem>>
      %dma_start3A_122 = tpu.memref_squeeze %dma_start3A_121 : memref<1x64x32xf32, #tpu.memory_space<vmem>> -> memref<64x32xf32, #tpu.memory_space<vmem>>
      %dma_start3A_123 = tpu.memref_slice %arg10[%add3A_109] : memref<512xi32, #tpu.memory_space<vmem>> -> memref<64xi32, #tpu.memory_space<vmem>>
      %dma_start3A_124 = arith.constant 0 : i32
      %dma_start3A_125 = arith.constant 0 : i32
      %dma_start3A_126 = tpu.memref_slice %arg2[%dma_start3A_124, %dma_start3A_125] : memref<3584x32xf32, #tpu.memory_space<hbm>> -> memref<3584x32xf32, #tpu.memory_space<hbm>>
      %dma_start3A_127 = tpu.memref_slice %arg16[%dma_start3A_118] : memref<2x!tpu.dma_semaphore, #tpu.memory_space<semaphore_mem>> -> memref<1x!tpu.dma_semaphore, #tpu.memory_space<semaphore_mem>>
      %dma_start3A_128 = tpu.memref_squeeze %dma_start3A_127 : memref<1x!tpu.dma_semaphore, #tpu.memory_space<semaphore_mem>> -> memref<!tpu.dma_semaphore, #tpu.memory_space<semaphore_mem>>
      tpu.enqueue_indirect_dma source(%dma_start3A_126 : memref<3584x32xf32, #tpu.memory_space<hbm>>) target(%dma_start3A_122 : memref<64x32xf32, #tpu.memory_space<vmem>>) offsets(%dma_start3A_123 : memref<64xi32, #tpu.memory_space<vmem>>) semaphore(%dma_start3A_128 : memref<!tpu.dma_semaphore, #tpu.memory_space<semaphore_mem>>)
      %dma_wait3A_129 = arith.constant 0 : i32
      %dma_wait3A_130 = arith.constant 0 : i32
      %dma_wait3A_131 = arith.constant 0 : i32
      %dma_wait3A_132 = arith.constant 0 : i32
      %dma_wait3A_133 = tpu.memref_slice %arg12[%dma_wait3A_129, %dma_wait3A_131, %dma_wait3A_132] : memref<2x64x32xf32, #tpu.memory_space<vmem>> -> memref<1x64x32xf32, #tpu.memory_space<vmem>>
      %dma_wait3A_134 = tpu.memref_squeeze %dma_wait3A_133 : memref<1x64x32xf32, #tpu.memory_space<vmem>> -> memref<64x32xf32, #tpu.memory_space<vmem>>
      %dma_wait3A_135 = tpu.memref_slice %arg10[%mul3A_107] : memref<512xi32, #tpu.memory_space<vmem>> -> memref<64xi32, #tpu.memory_space<vmem>>
      %dma_wait3A_136 = arith.constant 0 : i32
      %dma_wait3A_137 = arith.constant 0 : i32
      %dma_wait3A_138 = tpu.memref_slice %arg2[%dma_wait3A_136, %dma_wait3A_137] : memref<3584x32xf32, #tpu.memory_space<hbm>> -> memref<3584x32xf32, #tpu.memory_space<hbm>>
      %dma_wait3A_139 = tpu.memref_slice %arg16[%dma_wait3A_130] : memref<2x!tpu.dma_semaphore, #tpu.memory_space<semaphore_mem>> -> memref<1x!tpu.dma_semaphore, #tpu.memory_space<semaphore_mem>>
      %dma_wait3A_140 = tpu.memref_squeeze %dma_wait3A_139 : memref<1x!tpu.dma_semaphore, #tpu.memory_space<semaphore_mem>> -> memref<!tpu.dma_semaphore, #tpu.memory_space<semaphore_mem>>
      tpu.wait_indirect_dma semaphore(%dma_wait3A_140 : memref<!tpu.dma_semaphore, #tpu.memory_space<semaphore_mem>>) src(%dma_wait3A_138 : memref<3584x32xf32, #tpu.memory_space<hbm>>) dst(%dma_wait3A_134 : memref<64x32xf32, #tpu.memory_space<vmem>>)
      %iota3A_141 = tpu.iota {dimensions = array<i32: 0>} : vector<16xi32>
      %parallel_loop3A_142 = arith.constant 0 : i32
      %parallel_loop3A_143 = arith.constant 64 : i32
      %parallel_loop3A_144 = arith.constant 16 : i32
      %parallel_loop3A_145 = arith.constant 0 : i32
      scf.for %parallel_loop3A_230 = %parallel_loop3A_142 to %parallel_loop3A_143 step %parallel_loop3A_144  : i32 {
        %parallel_loop3A_231 = arith.addi %mul3A_107, %parallel_loop3A_230 : i32
        %parallel_loop3A_232 = arith.index_cast %parallel_loop3A_231 : i32 to index
        %parallel_loop3A_233 = tpu.vector_load %arg9[%parallel_loop3A_232] {strides = array<i32>} : memref<512xf32, #tpu.memory_space<vmem>>, vector<16xf32>,
        %parallel_loop3A_234 = arith.addi %mul3A_107, %parallel_loop3A_230 : i32
        %parallel_loop3A_235 = arith.index_cast %parallel_loop3A_234 : i32 to index
        %parallel_loop3A_236 = tpu.vector_load %arg10[%parallel_loop3A_235] {strides = array<i32>} : memref<512xi32, #tpu.memory_space<vmem>>, vector<16xi32>,
        %parallel_loop3A_237 = vector.broadcast %parallel_loop3A_230 : i32 to vector<16xi32>
        %parallel_loop3A_238 = arith.addi %iota3A_141, %parallel_loop3A_237 : vector<16xi32>
        %parallel_loop3A_239 = arith.constant 0 : i32
        %parallel_loop3A_240 = vector.broadcast %parallel_loop3A_239 : i32 to vector<16xi32>
        %parallel_loop3A_241 = arith.constant 32 : i32
        %parallel_loop3A_242 = vector.broadcast %parallel_loop3A_241 : i32 to vector<16xi32>
        %parallel_loop3A_243 = arith.addi %parallel_loop3A_240, %parallel_loop3A_242 : vector<16xi32>
        %parallel_loop3A_244 = arith.constant 32 : i32
        %parallel_loop3A_245 = vector.broadcast %parallel_loop3A_244 : i32 to vector<16xi32>
        %parallel_loop3A_246 = arith.minsi %parallel_loop3A_243, %parallel_loop3A_245 : vector<16xi32>
        %parallel_loop3A_247 = arith.constant 1 : i32
        %parallel_loop3A_248 = vector.broadcast %parallel_loop3A_247 : i32 to vector<16xi32>
        %parallel_loop3A_249 = arith.subi %parallel_loop3A_246, %parallel_loop3A_248 : vector<16xi32>
        %parallel_loop3A_250 = arith.constant 0 : i32
        %parallel_loop3A_251 = arith.constant 0 : i32
        %parallel_loop3A_252 = tpu.memref_slice %arg12[%parallel_loop3A_145, %parallel_loop3A_250, %parallel_loop3A_251] : memref<2x64x32xf32, #tpu.memory_space<vmem>> -> memref<1x64x32xf32, #tpu.memory_space<vmem>>
        %parallel_loop3A_253 = tpu.memref_squeeze %parallel_loop3A_252 : memref<1x64x32xf32, #tpu.memory_space<vmem>> -> memref<64x32xf32, #tpu.memory_space<vmem>>
        %parallel_loop3A_254 = tpu.vector_load_idx %parallel_loop3A_253[%parallel_loop3A_238, %parallel_loop3A_249] : memref<64x32xf32, #tpu.memory_space<vmem>>[vector<16xi32>, vector<16xi32>], vector<16xf32>,
        %parallel_loop3A_255 = arith.constant 32 : i32
        %parallel_loop3A_256 = vector.broadcast %parallel_loop3A_255 : i32 to vector<16xi32>
        %parallel_loop3A_257 = arith.cmpi sle, %parallel_loop3A_243, %parallel_loop3A_256 : vector<16xi32>
        %parallel_loop3A_258 = arith.cmpf ole, %parallel_loop3A_254, %parallel_loop3A_233 : vector<16xf32>
        %parallel_loop3A_259 = arith.andi %parallel_loop3A_257, %parallel_loop3A_258 : vector<16xi1>
        %parallel_loop3A_260 = arith.select %parallel_loop3A_259, %parallel_loop3A_243, %parallel_loop3A_240 : vector<16xi1>, vector<16xi32>
        %parallel_loop3A_261 = arith.constant 16 : i32
        %parallel_loop3A_262 = vector.broadcast %parallel_loop3A_261 : i32 to vector<16xi32>
        %parallel_loop3A_263 = arith.addi %parallel_loop3A_260, %parallel_loop3A_262 : vector<16xi32>
        %parallel_loop3A_264 = arith.constant 32 : i32
        %parallel_loop3A_265 = vector.broadcast %parallel_loop3A_264 : i32 to vector<16xi32>
        %parallel_loop3A_266 = arith.minsi %parallel_loop3A_263, %parallel_loop3A_265 : vector<16xi32>
        %parallel_loop3A_267 = arith.constant 1 : i32
        %parallel_loop3A_268 = vector.broadcast %parallel_loop3A_267 : i32 to vector<16xi32>
        %parallel_loop3A_269 = arith.subi %parallel_loop3A_266, %parallel_loop3A_268 : vector<16xi32>
        %parallel_loop3A_270 = arith.constant 0 : i32
        %parallel_loop3A_271 = arith.constant 0 : i32
        %parallel_loop3A_272 = tpu.memref_slice %arg12[%parallel_loop3A_145, %parallel_loop3A_270, %parallel_loop3A_271] : memref<2x64x32xf32, #tpu.memory_space<vmem>> -> memref<1x64x32xf32, #tpu.memory_space<vmem>>
        %parallel_loop3A_273 = tpu.memref_squeeze %parallel_loop3A_272 : memref<1x64x32xf32, #tpu.memory_space<vmem>> -> memref<64x32xf32, #tpu.memory_space<vmem>>
        %parallel_loop3A_274 = tpu.vector_load_idx %parallel_loop3A_273[%parallel_loop3A_238, %parallel_loop3A_269] : memref<64x32xf32, #tpu.memory_space<vmem>>[vector<16xi32>, vector<16xi32>], vector<16xf32>,
        %parallel_loop3A_275 = arith.constant 32 : i32
        %parallel_loop3A_276 = vector.broadcast %parallel_loop3A_275 : i32 to vector<16xi32>
        %parallel_loop3A_277 = arith.cmpi sle, %parallel_loop3A_263, %parallel_loop3A_276 : vector<16xi32>
        %parallel_loop3A_278 = arith.cmpf ole, %parallel_loop3A_274, %parallel_loop3A_233 : vector<16xf32>
        %parallel_loop3A_279 = arith.andi %parallel_loop3A_277, %parallel_loop3A_278 : vector<16xi1>
        %parallel_loop3A_280 = arith.select %parallel_loop3A_279, %parallel_loop3A_263, %parallel_loop3A_260 : vector<16xi1>, vector<16xi32>
        %parallel_loop3A_281 = arith.constant 8 : i32
        %parallel_loop3A_282 = vector.broadcast %parallel_loop3A_281 : i32 to vector<16xi32>
        %parallel_loop3A_283 = arith.addi %parallel_loop3A_280, %parallel_loop3A_282 : vector<16xi32>
        %parallel_loop3A_284 = arith.constant 32 : i32
        %parallel_loop3A_285 = vector.broadcast %parallel_loop3A_284 : i32 to vector<16xi32>
        %parallel_loop3A_286 = arith.minsi %parallel_loop3A_283, %parallel_loop3A_285 : vector<16xi32>
        %parallel_loop3A_287 = arith.constant 1 : i32
        %parallel_loop3A_288 = vector.broadcast %parallel_loop3A_287 : i32 to vector<16xi32>
        %parallel_loop3A_289 = arith.subi %parallel_loop3A_286, %parallel_loop3A_288 : vector<16xi32>
        %parallel_loop3A_290 = arith.constant 0 : i32
        %parallel_loop3A_291 = arith.constant 0 : i32
        %parallel_loop3A_292 = tpu.memref_slice %arg12[%parallel_loop3A_145, %parallel_loop3A_290, %parallel_loop3A_291] : memref<2x64x32xf32, #tpu.memory_space<vmem>> -> memref<1x64x32xf32, #tpu.memory_space<vmem>>
        %parallel_loop3A_293 = tpu.memref_squeeze %parallel_loop3A_292 : memref<1x64x32xf32, #tpu.memory_space<vmem>> -> memref<64x32xf32, #tpu.memory_space<vmem>>
        %parallel_loop3A_294 = tpu.vector_load_idx %parallel_loop3A_293[%parallel_loop3A_238, %parallel_loop3A_289] : memref<64x32xf32, #tpu.memory_space<vmem>>[vector<16xi32>, vector<16xi32>], vector<16xf32>,
        %parallel_loop3A_295 = arith.constant 32 : i32
        %parallel_loop3A_296 = vector.broadcast %parallel_loop3A_295 : i32 to vector<16xi32>
        %parallel_loop3A_297 = arith.cmpi sle, %parallel_loop3A_283, %parallel_loop3A_296 : vector<16xi32>
        %parallel_loop3A_298 = arith.cmpf ole, %parallel_loop3A_294, %parallel_loop3A_233 : vector<16xf32>
        %parallel_loop3A_299 = arith.andi %parallel_loop3A_297, %parallel_loop3A_298 : vector<16xi1>
        %parallel_loop3A_300 = arith.select %parallel_loop3A_299, %parallel_loop3A_283, %parallel_loop3A_280 : vector<16xi1>, vector<16xi32>
        %parallel_loop3A_301 = arith.constant 4 : i32
        %parallel_loop3A_302 = vector.broadcast %parallel_loop3A_301 : i32 to vector<16xi32>
        %parallel_loop3A_303 = arith.addi %parallel_loop3A_300, %parallel_loop3A_302 : vector<16xi32>
        %parallel_loop3A_304 = arith.constant 32 : i32
        %parallel_loop3A_305 = vector.broadcast %parallel_loop3A_304 : i32 to vector<16xi32>
        %parallel_loop3A_306 = arith.minsi %parallel_loop3A_303, %parallel_loop3A_305 : vector<16xi32>
        %parallel_loop3A_307 = arith.constant 1 : i32
        %parallel_loop3A_308 = vector.broadcast %parallel_loop3A_307 : i32 to vector<16xi32>
        %parallel_loop3A_309 = arith.subi %parallel_loop3A_306, %parallel_loop3A_308 : vector<16xi32>
        %parallel_loop3A_310 = arith.constant 0 : i32
        %parallel_loop3A_311 = arith.constant 0 : i32
        %parallel_loop3A_312 = tpu.memref_slice %arg12[%parallel_loop3A_145, %parallel_loop3A_310, %parallel_loop3A_311] : memref<2x64x32xf32, #tpu.memory_space<vmem>> -> memref<1x64x32xf32, #tpu.memory_space<vmem>>
        %parallel_loop3A_313 = tpu.memref_squeeze %parallel_loop3A_312 : memref<1x64x32xf32, #tpu.memory_space<vmem>> -> memref<64x32xf32, #tpu.memory_space<vmem>>
        %parallel_loop3A_314 = tpu.vector_load_idx %parallel_loop3A_313[%parallel_loop3A_238, %parallel_loop3A_309] : memref<64x32xf32, #tpu.memory_space<vmem>>[vector<16xi32>, vector<16xi32>], vector<16xf32>,
        %parallel_loop3A_315 = arith.constant 32 : i32
        %parallel_loop3A_316 = vector.broadcast %parallel_loop3A_315 : i32 to vector<16xi32>
        %parallel_loop3A_317 = arith.cmpi sle, %parallel_loop3A_303, %parallel_loop3A_316 : vector<16xi32>
        %parallel_loop3A_318 = arith.cmpf ole, %parallel_loop3A_314, %parallel_loop3A_233 : vector<16xf32>
        %parallel_loop3A_319 = arith.andi %parallel_loop3A_317, %parallel_loop3A_318 : vector<16xi1>
        %parallel_loop3A_320 = arith.select %parallel_loop3A_319, %parallel_loop3A_303, %parallel_loop3A_300 : vector<16xi1>, vector<16xi32>
        %parallel_loop3A_321 = arith.constant 2 : i32
        %parallel_loop3A_322 = vector.broadcast %parallel_loop3A_321 : i32 to vector<16xi32>
        %parallel_loop3A_323 = arith.addi %parallel_loop3A_320, %parallel_loop3A_322 : vector<16xi32>
        %parallel_loop3A_324 = arith.constant 32 : i32
        %parallel_loop3A_325 = vector.broadcast %parallel_loop3A_324 : i32 to vector<16xi32>
        %parallel_loop3A_326 = arith.minsi %parallel_loop3A_323, %parallel_loop3A_325 : vector<16xi32>
        %parallel_loop3A_327 = arith.constant 1 : i32
        %parallel_loop3A_328 = vector.broadcast %parallel_loop3A_327 : i32 to vector<16xi32>
        %parallel_loop3A_329 = arith.subi %parallel_loop3A_326, %parallel_loop3A_328 : vector<16xi32>
        %parallel_loop3A_330 = arith.constant 0 : i32
        %parallel_loop3A_331 = arith.constant 0 : i32
        %parallel_loop3A_332 = tpu.memref_slice %arg12[%parallel_loop3A_145, %parallel_loop3A_330, %parallel_loop3A_331] : memref<2x64x32xf32, #tpu.memory_space<vmem>> -> memref<1x64x32xf32, #tpu.memory_space<vmem>>
        %parallel_loop3A_333 = tpu.memref_squeeze %parallel_loop3A_332 : memref<1x64x32xf32, #tpu.memory_space<vmem>> -> memref<64x32xf32, #tpu.memory_space<vmem>>
        %parallel_loop3A_334 = tpu.vector_load_idx %parallel_loop3A_333[%parallel_loop3A_238, %parallel_loop3A_329] : memref<64x32xf32, #tpu.memory_space<vmem>>[vector<16xi32>, vector<16xi32>], vector<16xf32>,
        %parallel_loop3A_335 = arith.constant 32 : i32
        %parallel_loop3A_336 = vector.broadcast %parallel_loop3A_335 : i32 to vector<16xi32>
        %parallel_loop3A_337 = arith.cmpi sle, %parallel_loop3A_323, %parallel_loop3A_336 : vector<16xi32>
        %parallel_loop3A_338 = arith.cmpf ole, %parallel_loop3A_334, %parallel_loop3A_233 : vector<16xf32>
        %parallel_loop3A_339 = arith.andi %parallel_loop3A_337, %parallel_loop3A_338 : vector<16xi1>
        %parallel_loop3A_340 = arith.select %parallel_loop3A_339, %parallel_loop3A_323, %parallel_loop3A_320 : vector<16xi1>, vector<16xi32>
        %parallel_loop3A_341 = arith.constant 1 : i32
        %parallel_loop3A_342 = vector.broadcast %parallel_loop3A_341 : i32 to vector<16xi32>
        %parallel_loop3A_343 = arith.addi %parallel_loop3A_340, %parallel_loop3A_342 : vector<16xi32>
        %parallel_loop3A_344 = arith.constant 32 : i32
        %parallel_loop3A_345 = vector.broadcast %parallel_loop3A_344 : i32 to vector<16xi32>
        %parallel_loop3A_346 = arith.minsi %parallel_loop3A_343, %parallel_loop3A_345 : vector<16xi32>
        %parallel_loop3A_347 = arith.constant 1 : i32
        %parallel_loop3A_348 = vector.broadcast %parallel_loop3A_347 : i32 to vector<16xi32>
        %parallel_loop3A_349 = arith.subi %parallel_loop3A_346, %parallel_loop3A_348 : vector<16xi32>
        %parallel_loop3A_350 = arith.constant 0 : i32
        %parallel_loop3A_351 = arith.constant 0 : i32
        %parallel_loop3A_352 = tpu.memref_slice %arg12[%parallel_loop3A_145, %parallel_loop3A_350, %parallel_loop3A_351] : memref<2x64x32xf32, #tpu.memory_space<vmem>> -> memref<1x64x32xf32, #tpu.memory_space<vmem>>
        %parallel_loop3A_353 = tpu.memref_squeeze %parallel_loop3A_352 : memref<1x64x32xf32, #tpu.memory_space<vmem>> -> memref<64x32xf32, #tpu.memory_space<vmem>>
        %parallel_loop3A_354 = tpu.vector_load_idx %parallel_loop3A_353[%parallel_loop3A_238, %parallel_loop3A_349] : memref<64x32xf32, #tpu.memory_space<vmem>>[vector<16xi32>, vector<16xi32>], vector<16xf32>,
        %parallel_loop3A_355 = arith.constant 32 : i32
        %parallel_loop3A_356 = vector.broadcast %parallel_loop3A_355 : i32 to vector<16xi32>
        %parallel_loop3A_357 = arith.cmpi sle, %parallel_loop3A_343, %parallel_loop3A_356 : vector<16xi32>
        %parallel_loop3A_358 = arith.cmpf ole, %parallel_loop3A_354, %parallel_loop3A_233 : vector<16xf32>
        %parallel_loop3A_359 = arith.andi %parallel_loop3A_357, %parallel_loop3A_358 : vector<16xi1>
        %parallel_loop3A_360 = arith.select %parallel_loop3A_359, %parallel_loop3A_343, %parallel_loop3A_340 : vector<16xi1>, vector<16xi32>
        %parallel_loop3A_361 = arith.constant 32 : i32
        %parallel_loop3A_362 = vector.broadcast %parallel_loop3A_361 : i32 to vector<16xi32>
        %parallel_loop3A_363 = arith.muli %parallel_loop3A_236, %parallel_loop3A_362 : vector<16xi32>
        %parallel_loop3A_364 = arith.addi %parallel_loop3A_363, %parallel_loop3A_360 : vector<16xi32>
        %parallel_loop3A_365 = arith.constant 0 : i32
        %parallel_loop3A_366 = vector.broadcast %parallel_loop3A_365 : i32 to vector<16xi32>
        %parallel_loop3A_367 = arith.cmpi eq, %parallel_loop3A_364, %parallel_loop3A_366 : vector<16xi32>
        %parallel_loop3A_368 = arith.constant 1 : i32
        %parallel_loop3A_369 = vector.broadcast %parallel_loop3A_368 : i32 to vector<16xi32>
        %parallel_loop3A_370 = arith.subi %parallel_loop3A_364, %parallel_loop3A_369 : vector<16xi32>
        %parallel_loop3A_371 = arith.constant 99999 : i32
        %parallel_loop3A_372 = vector.broadcast %parallel_loop3A_371 : i32 to vector<16xi32>
        %parallel_loop3A_373 = arith.select %parallel_loop3A_367, %parallel_loop3A_372, %parallel_loop3A_370 : vector<16xi1>, vector<16xi32>
        %parallel_loop3A_374 = arith.addi %mul3A_107, %parallel_loop3A_230 : i32
        %parallel_loop3A_375 = arith.index_cast %parallel_loop3A_374 : i32 to index
        %parallel_loop3A_376 = tpu.vector_load %arg11[%parallel_loop3A_375] {strides = array<i32>} : memref<512xi32, #tpu.memory_space<vmem>>, vector<16xi32>,
        tpu.vector_store %arg11[%parallel_loop3A_375], %parallel_loop3A_373 {strides = array<i32>} : memref<512xi32, #tpu.memory_space<vmem>>, vector<16xi32>,
      } {sc.loop_unroll_factor = 4 : i64, sc.parallel_access}
      %gt3A_146 = arith.constant 0 : i32
      %gt3A_147 = arith.cmpi sgt, %add3A_103, %gt3A_146 : i32
      %convert_element_type3A_148 = arith.extui %gt3A_147 : i1 to i32
      %cond3A_149 = arith.constant 0 : i32
      %cond3A_150 = arith.cmpi ne, %convert_element_type3A_148, %cond3A_149 : i32
      scf.if %cond3A_150 {
        %sub3A = arith.constant 128 : i32
        %sub3A_230 = arith.subi %mul3A_107, %sub3A : i32
        %add3A_231 = arith.addi %mul3A_2, %sub3A_230 : i32
        %dma_wait3A_232 = arith.constant 0 : i32
        %dma_wait3A_233 = arith.constant 0 : i32
        %dma_wait3A_234 = arith.constant 0 : i32
        %dma_wait3A_235 = arith.constant 0 : i32
        %dma_wait3A_236 = tpu.memref_slice %arg13[%dma_wait3A_232, %dma_wait3A_234, %dma_wait3A_235] : memref<2x64x128xf32, #tpu.memory_space<vmem>> -> memref<1x64x128xf32, #tpu.memory_space<vmem>>
        %dma_wait3A_237 = tpu.memref_squeeze %dma_wait3A_236 : memref<1x64x128xf32, #tpu.memory_space<vmem>> -> memref<64x128xf32, #tpu.memory_space<vmem>>
        %dma_wait3A_238 = arith.constant 0 : i32
        %dma_wait3A_239 = tpu.memref_slice %arg5[%add3A_231, %dma_wait3A_238] : memref<16384x128xf32, #tpu.memory_space<hbm>> -> memref<64x128xf32, #tpu.memory_space<hbm>>
        %dma_wait3A_240 = tpu.memref_slice %arg18[%dma_wait3A_233] : memref<2x!tpu.dma_semaphore, #tpu.memory_space<semaphore_mem>> -> memref<1x!tpu.dma_semaphore, #tpu.memory_space<semaphore_mem>>
        %dma_wait3A_241 = tpu.memref_squeeze %dma_wait3A_240 : memref<1x!tpu.dma_semaphore, #tpu.memory_space<semaphore_mem>> -> memref<!tpu.dma_semaphore, #tpu.memory_space<semaphore_mem>>
        %dma_wait3A_242 = arith.constant 0 : i32
        %dma_wait3A_243 = tpu.memref_slice %arg5[%add3A_231, %dma_wait3A_242] : memref<16384x128xf32, #tpu.memory_space<hbm>> -> memref<64x128xf32, #tpu.memory_space<hbm>>
        %dma_wait3A_244 = arith.constant 0 : i32
        %dma_wait3A_245 = arith.constant 0 : i32
        %dma_wait3A_246 = tpu.memref_slice %arg13[%dma_wait3A_232, %dma_wait3A_244, %dma_wait3A_245] : memref<2x64x128xf32, #tpu.memory_space<vmem>> -> memref<1x64x128xf32, #tpu.memory_space<vmem>>
        %dma_wait3A_247 = tpu.memref_squeeze %dma_wait3A_246 : memref<1x64x128xf32, #tpu.memory_space<vmem>> -> memref<64x128xf32, #tpu.memory_space<vmem>>
        tpu.wait_dma2 semaphore(%dma_wait3A_241 : memref<!tpu.dma_semaphore, #tpu.memory_space<semaphore_mem>>) src(%dma_wait3A_247 : memref<64x128xf32, #tpu.memory_space<vmem>>) dst(%dma_wait3A_243 : memref<64x128xf32, #tpu.memory_space<hbm>>)
      } else {
      }
      %dma_start3A_151 = arith.constant 0 : i32
      %dma_start3A_152 = arith.constant 0 : i32
      %dma_start3A_153 = arith.constant 0 : i32
      %dma_start3A_154 = arith.constant 0 : i32
      %dma_start3A_155 = tpu.memref_slice %arg13[%dma_start3A_151, %dma_start3A_153, %dma_start3A_154] : memref<2x64x128xf32, #tpu.memory_space<vmem>> -> memref<1x64x128xf32, #tpu.memory_space<vmem>>
      %dma_start3A_156 = tpu.memref_squeeze %dma_start3A_155 : memref<1x64x128xf32, #tpu.memory_space<vmem>> -> memref<64x128xf32, #tpu.memory_space<vmem>>
      %dma_start3A_157 = tpu.memref_slice %arg11[%mul3A_107] : memref<512xi32, #tpu.memory_space<vmem>> -> memref<64xi32, #tpu.memory_space<vmem>>
      %dma_start3A_158 = arith.constant 0 : i32
      %dma_start3A_159 = arith.constant 0 : i32
      %dma_start3A_160 = tpu.memref_slice %arg3[%dma_start3A_158, %dma_start3A_159] : memref<100000x128xf32, #tpu.memory_space<hbm>> -> memref<100000x128xf32, #tpu.memory_space<hbm>>
      %dma_start3A_161 = tpu.memref_slice %arg17[%dma_start3A_152] : memref<2x!tpu.dma_semaphore, #tpu.memory_space<semaphore_mem>> -> memref<1x!tpu.dma_semaphore, #tpu.memory_space<semaphore_mem>>
      %dma_start3A_162 = tpu.memref_squeeze %dma_start3A_161 : memref<1x!tpu.dma_semaphore, #tpu.memory_space<semaphore_mem>> -> memref<!tpu.dma_semaphore, #tpu.memory_space<semaphore_mem>>
      tpu.enqueue_indirect_dma source(%dma_start3A_160 : memref<100000x128xf32, #tpu.memory_space<hbm>>) target(%dma_start3A_156 : memref<64x128xf32, #tpu.memory_space<vmem>>) offsets(%dma_start3A_157 : memref<64xi32, #tpu.memory_space<vmem>>) semaphore(%dma_start3A_162 : memref<!tpu.dma_semaphore, #tpu.memory_space<semaphore_mem>>)
      %lt3A = arith.constant 3 : i32
      %lt3A_163 = arith.cmpi slt, %add3A_103, %lt3A : i32
      %convert_element_type3A_164 = arith.extui %lt3A_163 : i1 to i32
      %cond3A_165 = arith.constant 0 : i32
      %cond3A_166 = arith.cmpi ne, %convert_element_type3A_164, %cond3A_165 : i32
      scf.if %cond3A_166 {
        %add3A_230 = arith.constant 64 : i32
        %add3A_231 = arith.addi %add3A_109, %add3A_230 : i32
        %broadcast_in_dim3A_232 = arith.constant 0 : i32
        %broadcast_in_dim3A_233 = vector.broadcast %broadcast_in_dim3A_232 : i32 to vector<16xi32>
        %parallel_loop3A_234 = arith.constant 0 : i32
        %parallel_loop3A_235 = arith.constant 64 : i32
        %parallel_loop3A_236 = arith.constant 16 : i32
        scf.for %parallel_loop3A_251 = %parallel_loop3A_234 to %parallel_loop3A_235 step %parallel_loop3A_236  : i32 {
          %parallel_loop3A_252 = arith.addi %add3A_231, %parallel_loop3A_251 : i32
          %parallel_loop3A_253 = arith.index_cast %parallel_loop3A_252 : i32 to index
          %parallel_loop3A_254 = tpu.vector_load %arg9[%parallel_loop3A_253] {strides = array<i32>} : memref<512xf32, #tpu.memory_space<vmem>>, vector<16xf32>,
          %parallel_loop3A_255 = arith.constant 0 : i32
          %parallel_loop3A_256 = vector.broadcast %parallel_loop3A_255 : i32 to vector<16xi32>
          %parallel_loop3A_257 = arith.constant 2048 : i32
          %parallel_loop3A_258 = vector.broadcast %parallel_loop3A_257 : i32 to vector<16xi32>
          %parallel_loop3A_259 = arith.addi %parallel_loop3A_256, %parallel_loop3A_258 : vector<16xi32>
          %parallel_loop3A_260 = arith.constant 3584 : i32
          %parallel_loop3A_261 = vector.broadcast %parallel_loop3A_260 : i32 to vector<16xi32>
          %parallel_loop3A_262 = arith.minsi %parallel_loop3A_259, %parallel_loop3A_261 : vector<16xi32>
          %parallel_loop3A_263 = arith.constant 1 : i32
          %parallel_loop3A_264 = vector.broadcast %parallel_loop3A_263 : i32 to vector<16xi32>
          %parallel_loop3A_265 = arith.subi %parallel_loop3A_262, %parallel_loop3A_264 : vector<16xi32>
          %parallel_loop3A_266 = tpu.vector_load_idx %arg6[%parallel_loop3A_265] : memref<3584xf32, #tpu.memory_space<vmem>>[vector<16xi32>], vector<16xf32>,
          %parallel_loop3A_267 = arith.cmpf ole, %parallel_loop3A_266, %parallel_loop3A_254 : vector<16xf32>
          %parallel_loop3A_268 = arith.select %parallel_loop3A_267, %parallel_loop3A_259, %parallel_loop3A_256 : vector<16xi1>, vector<16xi32>
          %parallel_loop3A_269 = arith.constant 1024 : i32
          %parallel_loop3A_270 = vector.broadcast %parallel_loop3A_269 : i32 to vector<16xi32>
          %parallel_loop3A_271 = arith.addi %parallel_loop3A_268, %parallel_loop3A_270 : vector<16xi32>
          %parallel_loop3A_272 = arith.constant 3584 : i32
          %parallel_loop3A_273 = vector.broadcast %parallel_loop3A_272 : i32 to vector<16xi32>
          %parallel_loop3A_274 = arith.minsi %parallel_loop3A_271, %parallel_loop3A_273 : vector<16xi32>
          %parallel_loop3A_275 = arith.constant 1 : i32
          %parallel_loop3A_276 = vector.broadcast %parallel_loop3A_275 : i32 to vector<16xi32>
          %parallel_loop3A_277 = arith.subi %parallel_loop3A_274, %parallel_loop3A_276 : vector<16xi32>
          %parallel_loop3A_278 = tpu.vector_load_idx %arg6[%parallel_loop3A_277] : memref<3584xf32, #tpu.memory_space<vmem>>[vector<16xi32>], vector<16xf32>,
          %parallel_loop3A_279 = arith.cmpf ole, %parallel_loop3A_278, %parallel_loop3A_254 : vector<16xf32>
          %parallel_loop3A_280 = arith.select %parallel_loop3A_279, %parallel_loop3A_271, %parallel_loop3A_268 : vector<16xi1>, vector<16xi32>
          %parallel_loop3A_281 = arith.constant 512 : i32
          %parallel_loop3A_282 = vector.broadcast %parallel_loop3A_281 : i32 to vector<16xi32>
          %parallel_loop3A_283 = arith.addi %parallel_loop3A_280, %parallel_loop3A_282 : vector<16xi32>
          %parallel_loop3A_284 = arith.constant 3584 : i32
          %parallel_loop3A_285 = vector.broadcast %parallel_loop3A_284 : i32 to vector<16xi32>
          %parallel_loop3A_286 = arith.minsi %parallel_loop3A_283, %parallel_loop3A_285 : vector<16xi32>
          %parallel_loop3A_287 = arith.constant 1 : i32
          %parallel_loop3A_288 = vector.broadcast %parallel_loop3A_287 : i32 to vector<16xi32>
          %parallel_loop3A_289 = arith.subi %parallel_loop3A_286, %parallel_loop3A_288 : vector<16xi32>
          %parallel_loop3A_290 = tpu.vector_load_idx %arg6[%parallel_loop3A_289] : memref<3584xf32, #tpu.memory_space<vmem>>[vector<16xi32>], vector<16xf32>,
          %parallel_loop3A_291 = arith.cmpf ole, %parallel_loop3A_290, %parallel_loop3A_254 : vector<16xf32>
          %parallel_loop3A_292 = arith.select %parallel_loop3A_291, %parallel_loop3A_283, %parallel_loop3A_280 : vector<16xi1>, vector<16xi32>
          %parallel_loop3A_293 = arith.constant 256 : i32
          %parallel_loop3A_294 = vector.broadcast %parallel_loop3A_293 : i32 to vector<16xi32>
          %parallel_loop3A_295 = arith.addi %parallel_loop3A_292, %parallel_loop3A_294 : vector<16xi32>
          %parallel_loop3A_296 = arith.constant 3584 : i32
          %parallel_loop3A_297 = vector.broadcast %parallel_loop3A_296 : i32 to vector<16xi32>
          %parallel_loop3A_298 = arith.minsi %parallel_loop3A_295, %parallel_loop3A_297 : vector<16xi32>
          %parallel_loop3A_299 = arith.constant 1 : i32
          %parallel_loop3A_300 = vector.broadcast %parallel_loop3A_299 : i32 to vector<16xi32>
          %parallel_loop3A_301 = arith.subi %parallel_loop3A_298, %parallel_loop3A_300 : vector<16xi32>
          %parallel_loop3A_302 = tpu.vector_load_idx %arg6[%parallel_loop3A_301] : memref<3584xf32, #tpu.memory_space<vmem>>[vector<16xi32>], vector<16xf32>,
          %parallel_loop3A_303 = arith.cmpf ole, %parallel_loop3A_302, %parallel_loop3A_254 : vector<16xf32>
          %parallel_loop3A_304 = arith.select %parallel_loop3A_303, %parallel_loop3A_295, %parallel_loop3A_292 : vector<16xi1>, vector<16xi32>
          %parallel_loop3A_305 = arith.constant 128 : i32
          %parallel_loop3A_306 = vector.broadcast %parallel_loop3A_305 : i32 to vector<16xi32>
          %parallel_loop3A_307 = arith.addi %parallel_loop3A_304, %parallel_loop3A_306 : vector<16xi32>
          %parallel_loop3A_308 = arith.constant 3584 : i32
          %parallel_loop3A_309 = vector.broadcast %parallel_loop3A_308 : i32 to vector<16xi32>
          %parallel_loop3A_310 = arith.minsi %parallel_loop3A_307, %parallel_loop3A_309 : vector<16xi32>
          %parallel_loop3A_311 = arith.constant 1 : i32
          %parallel_loop3A_312 = vector.broadcast %parallel_loop3A_311 : i32 to vector<16xi32>
          %parallel_loop3A_313 = arith.subi %parallel_loop3A_310, %parallel_loop3A_312 : vector<16xi32>
          %parallel_loop3A_314 = tpu.vector_load_idx %arg6[%parallel_loop3A_313] : memref<3584xf32, #tpu.memory_space<vmem>>[vector<16xi32>], vector<16xf32>,
          %parallel_loop3A_315 = arith.cmpf ole, %parallel_loop3A_314, %parallel_loop3A_254 : vector<16xf32>
          %parallel_loop3A_316 = arith.select %parallel_loop3A_315, %parallel_loop3A_307, %parallel_loop3A_304 : vector<16xi1>, vector<16xi32>
          %parallel_loop3A_317 = arith.constant 64 : i32
          %parallel_loop3A_318 = vector.broadcast %parallel_loop3A_317 : i32 to vector<16xi32>
          %parallel_loop3A_319 = arith.addi %parallel_loop3A_316, %parallel_loop3A_318 : vector<16xi32>
          %parallel_loop3A_320 = arith.constant 3584 : i32
          %parallel_loop3A_321 = vector.broadcast %parallel_loop3A_320 : i32 to vector<16xi32>
          %parallel_loop3A_322 = arith.minsi %parallel_loop3A_319, %parallel_loop3A_321 : vector<16xi32>
          %parallel_loop3A_323 = arith.constant 1 : i32
          %parallel_loop3A_324 = vector.broadcast %parallel_loop3A_323 : i32 to vector<16xi32>
          %parallel_loop3A_325 = arith.subi %parallel_loop3A_322, %parallel_loop3A_324 : vector<16xi32>
          %parallel_loop3A_326 = tpu.vector_load_idx %arg6[%parallel_loop3A_325] : memref<3584xf32, #tpu.memory_space<vmem>>[vector<16xi32>], vector<16xf32>,
          %parallel_loop3A_327 = arith.cmpf ole, %parallel_loop3A_326, %parallel_loop3A_254 : vector<16xf32>
          %parallel_loop3A_328 = arith.select %parallel_loop3A_327, %parallel_loop3A_319, %parallel_loop3A_316 : vector<16xi1>, vector<16xi32>
          %parallel_loop3A_329 = arith.constant 32 : i32
          %parallel_loop3A_330 = vector.broadcast %parallel_loop3A_329 : i32 to vector<16xi32>
          %parallel_loop3A_331 = arith.addi %parallel_loop3A_328, %parallel_loop3A_330 : vector<16xi32>
          %parallel_loop3A_332 = arith.constant 3584 : i32
          %parallel_loop3A_333 = vector.broadcast %parallel_loop3A_332 : i32 to vector<16xi32>
          %parallel_loop3A_334 = arith.minsi %parallel_loop3A_331, %parallel_loop3A_333 : vector<16xi32>
          %parallel_loop3A_335 = arith.constant 1 : i32
          %parallel_loop3A_336 = vector.broadcast %parallel_loop3A_335 : i32 to vector<16xi32>
          %parallel_loop3A_337 = arith.subi %parallel_loop3A_334, %parallel_loop3A_336 : vector<16xi32>
          %parallel_loop3A_338 = tpu.vector_load_idx %arg6[%parallel_loop3A_337] : memref<3584xf32, #tpu.memory_space<vmem>>[vector<16xi32>], vector<16xf32>,
          %parallel_loop3A_339 = arith.cmpf ole, %parallel_loop3A_338, %parallel_loop3A_254 : vector<16xf32>
          %parallel_loop3A_340 = arith.select %parallel_loop3A_339, %parallel_loop3A_331, %parallel_loop3A_328 : vector<16xi1>, vector<16xi32>
          %parallel_loop3A_341 = arith.constant 16 : i32
          %parallel_loop3A_342 = vector.broadcast %parallel_loop3A_341 : i32 to vector<16xi32>
          %parallel_loop3A_343 = arith.addi %parallel_loop3A_340, %parallel_loop3A_342 : vector<16xi32>
          %parallel_loop3A_344 = arith.constant 3584 : i32
          %parallel_loop3A_345 = vector.broadcast %parallel_loop3A_344 : i32 to vector<16xi32>
          %parallel_loop3A_346 = arith.minsi %parallel_loop3A_343, %parallel_loop3A_345 : vector<16xi32>
          %parallel_loop3A_347 = arith.constant 1 : i32
          %parallel_loop3A_348 = vector.broadcast %parallel_loop3A_347 : i32 to vector<16xi32>
          %parallel_loop3A_349 = arith.subi %parallel_loop3A_346, %parallel_loop3A_348 : vector<16xi32>
          %parallel_loop3A_350 = tpu.vector_load_idx %arg6[%parallel_loop3A_349] : memref<3584xf32, #tpu.memory_space<vmem>>[vector<16xi32>], vector<16xf32>,
          %parallel_loop3A_351 = arith.cmpf ole, %parallel_loop3A_350, %parallel_loop3A_254 : vector<16xf32>
          %parallel_loop3A_352 = arith.select %parallel_loop3A_351, %parallel_loop3A_343, %parallel_loop3A_340 : vector<16xi1>, vector<16xi32>
          %parallel_loop3A_353 = arith.constant 8 : i32
          %parallel_loop3A_354 = vector.broadcast %parallel_loop3A_353 : i32 to vector<16xi32>
          %parallel_loop3A_355 = arith.addi %parallel_loop3A_352, %parallel_loop3A_354 : vector<16xi32>
          %parallel_loop3A_356 = arith.constant 3584 : i32
          %parallel_loop3A_357 = vector.broadcast %parallel_loop3A_356 : i32 to vector<16xi32>
          %parallel_loop3A_358 = arith.minsi %parallel_loop3A_355, %parallel_loop3A_357 : vector<16xi32>
          %parallel_loop3A_359 = arith.constant 1 : i32
          %parallel_loop3A_360 = vector.broadcast %parallel_loop3A_359 : i32 to vector<16xi32>
          %parallel_loop3A_361 = arith.subi %parallel_loop3A_358, %parallel_loop3A_360 : vector<16xi32>
          %parallel_loop3A_362 = tpu.vector_load_idx %arg6[%parallel_loop3A_361] : memref<3584xf32, #tpu.memory_space<vmem>>[vector<16xi32>], vector<16xf32>,
          %parallel_loop3A_363 = arith.cmpf ole, %parallel_loop3A_362, %parallel_loop3A_254 : vector<16xf32>
          %parallel_loop3A_364 = arith.select %parallel_loop3A_363, %parallel_loop3A_355, %parallel_loop3A_352 : vector<16xi1>, vector<16xi32>
          %parallel_loop3A_365 = arith.constant 4 : i32
          %parallel_loop3A_366 = vector.broadcast %parallel_loop3A_365 : i32 to vector<16xi32>
          %parallel_loop3A_367 = arith.addi %parallel_loop3A_364, %parallel_loop3A_366 : vector<16xi32>
          %parallel_loop3A_368 = arith.constant 3584 : i32
          %parallel_loop3A_369 = vector.broadcast %parallel_loop3A_368 : i32 to vector<16xi32>
          %parallel_loop3A_370 = arith.minsi %parallel_loop3A_367, %parallel_loop3A_369 : vector<16xi32>
          %parallel_loop3A_371 = arith.constant 1 : i32
          %parallel_loop3A_372 = vector.broadcast %parallel_loop3A_371 : i32 to vector<16xi32>
          %parallel_loop3A_373 = arith.subi %parallel_loop3A_370, %parallel_loop3A_372 : vector<16xi32>
          %parallel_loop3A_374 = tpu.vector_load_idx %arg6[%parallel_loop3A_373] : memref<3584xf32, #tpu.memory_space<vmem>>[vector<16xi32>], vector<16xf32>,
          %parallel_loop3A_375 = arith.cmpf ole, %parallel_loop3A_374, %parallel_loop3A_254 : vector<16xf32>
          %parallel_loop3A_376 = arith.select %parallel_loop3A_375, %parallel_loop3A_367, %parallel_loop3A_364 : vector<16xi1>, vector<16xi32>
          %parallel_loop3A_377 = arith.constant 2 : i32
          %parallel_loop3A_378 = vector.broadcast %parallel_loop3A_377 : i32 to vector<16xi32>
          %parallel_loop3A_379 = arith.addi %parallel_loop3A_376, %parallel_loop3A_378 : vector<16xi32>
          %parallel_loop3A_380 = arith.constant 3584 : i32
          %parallel_loop3A_381 = vector.broadcast %parallel_loop3A_380 : i32 to vector<16xi32>
          %parallel_loop3A_382 = arith.minsi %parallel_loop3A_379, %parallel_loop3A_381 : vector<16xi32>
          %parallel_loop3A_383 = arith.constant 1 : i32
          %parallel_loop3A_384 = vector.broadcast %parallel_loop3A_383 : i32 to vector<16xi32>
          %parallel_loop3A_385 = arith.subi %parallel_loop3A_382, %parallel_loop3A_384 : vector<16xi32>
          %parallel_loop3A_386 = tpu.vector_load_idx %arg6[%parallel_loop3A_385] : memref<3584xf32, #tpu.memory_space<vmem>>[vector<16xi32>], vector<16xf32>,
          %parallel_loop3A_387 = arith.cmpf ole, %parallel_loop3A_386, %parallel_loop3A_254 : vector<16xf32>
          %parallel_loop3A_388 = arith.select %parallel_loop3A_387, %parallel_loop3A_379, %parallel_loop3A_376 : vector<16xi1>, vector<16xi32>
          %parallel_loop3A_389 = arith.constant 1 : i32
          %parallel_loop3A_390 = vector.broadcast %parallel_loop3A_389 : i32 to vector<16xi32>
          %parallel_loop3A_391 = arith.addi %parallel_loop3A_388, %parallel_loop3A_390 : vector<16xi32>
          %parallel_loop3A_392 = arith.constant 3584 : i32
          %parallel_loop3A_393 = vector.broadcast %parallel_loop3A_392 : i32 to vector<16xi32>
          %parallel_loop3A_394 = arith.minsi %parallel_loop3A_391, %parallel_loop3A_393 : vector<16xi32>
          %parallel_loop3A_395 = arith.constant 1 : i32
          %parallel_loop3A_396 = vector.broadcast %parallel_loop3A_395 : i32 to vector<16xi32>
          %parallel_loop3A_397 = arith.subi %parallel_loop3A_394, %parallel_loop3A_396 : vector<16xi32>
          %parallel_loop3A_398 = tpu.vector_load_idx %arg6[%parallel_loop3A_397] : memref<3584xf32, #tpu.memory_space<vmem>>[vector<16xi32>], vector<16xf32>,
          %parallel_loop3A_399 = arith.cmpf ole, %parallel_loop3A_398, %parallel_loop3A_254 : vector<16xf32>
          %parallel_loop3A_400 = arith.select %parallel_loop3A_399, %parallel_loop3A_391, %parallel_loop3A_388 : vector<16xi1>, vector<16xi32>
          %parallel_loop3A_401 = arith.constant 1 : i32
          %parallel_loop3A_402 = vector.broadcast %parallel_loop3A_401 : i32 to vector<16xi32>
          %parallel_loop3A_403 = arith.subi %parallel_loop3A_400, %parallel_loop3A_402 : vector<16xi32>
          %parallel_loop3A_404 = arith.constant 0 : i32
          %parallel_loop3A_405 = vector.broadcast %parallel_loop3A_404 : i32 to vector<16xi32>
          %parallel_loop3A_406 = arith.maxsi %parallel_loop3A_403, %parallel_loop3A_405 : vector<16xi32>
          %parallel_loop3A_407 = arith.addi %add3A_231, %parallel_loop3A_251 : i32
          %parallel_loop3A_408 = arith.index_cast %parallel_loop3A_407 : i32 to index
          %parallel_loop3A_409 = tpu.vector_load %arg10[%parallel_loop3A_408] {strides = array<i32>} : memref<512xi32, #tpu.memory_space<vmem>>, vector<16xi32>,
          tpu.vector_store %arg10[%parallel_loop3A_408], %parallel_loop3A_406 {strides = array<i32>} : memref<512xi32, #tpu.memory_space<vmem>>, vector<16xi32>,
        } {sc.loop_unroll_factor = 4 : i64, sc.parallel_access}
        %add3A_237 = arith.constant 64 : i32
        %add3A_238 = arith.addi %add3A_109, %add3A_237 : i32
        %dma_start3A_239 = arith.constant 0 : i32
        %dma_start3A_240 = arith.constant 0 : i32
        %dma_start3A_241 = arith.constant 0 : i32
        %dma_start3A_242 = arith.constant 0 : i32
        %dma_start3A_243 = tpu.memref_slice %arg12[%dma_start3A_239, %dma_start3A_241, %dma_start3A_242] : memref<2x64x32xf32, #tpu.memory_space<vmem>> -> memref<1x64x32xf32, #tpu.memory_space<vmem>>
        %dma_start3A_244 = tpu.memref_squeeze %dma_start3A_243 : memref<1x64x32xf32, #tpu.memory_space<vmem>> -> memref<64x32xf32, #tpu.memory_space<vmem>>
        %dma_start3A_245 = tpu.memref_slice %arg10[%add3A_238] : memref<512xi32, #tpu.memory_space<vmem>> -> memref<64xi32, #tpu.memory_space<vmem>>
        %dma_start3A_246 = arith.constant 0 : i32
        %dma_start3A_247 = arith.constant 0 : i32
        %dma_start3A_248 = tpu.memref_slice %arg2[%dma_start3A_246, %dma_start3A_247] : memref<3584x32xf32, #tpu.memory_space<hbm>> -> memref<3584x32xf32, #tpu.memory_space<hbm>>
        %dma_start3A_249 = tpu.memref_slice %arg16[%dma_start3A_240] : memref<2x!tpu.dma_semaphore, #tpu.memory_space<semaphore_mem>> -> memref<1x!tpu.dma_semaphore, #tpu.memory_space<semaphore_mem>>
        %dma_start3A_250 = tpu.memref_squeeze %dma_start3A_249 : memref<1x!tpu.dma_semaphore, #tpu.memory_space<semaphore_mem>> -> memref<!tpu.dma_semaphore, #tpu.memory_space<semaphore_mem>>
        tpu.enqueue_indirect_dma source(%dma_start3A_248 : memref<3584x32xf32, #tpu.memory_space<hbm>>) target(%dma_start3A_244 : memref<64x32xf32, #tpu.memory_space<vmem>>) offsets(%dma_start3A_245 : memref<64xi32, #tpu.memory_space<vmem>>) semaphore(%dma_start3A_250 : memref<!tpu.dma_semaphore, #tpu.memory_space<semaphore_mem>>)
      } else {
      }
      %dma_wait3A_167 = arith.constant 1 : i32
      %dma_wait3A_168 = arith.constant 1 : i32
      %dma_wait3A_169 = arith.constant 0 : i32
      %dma_wait3A_170 = arith.constant 0 : i32
      %dma_wait3A_171 = tpu.memref_slice %arg12[%dma_wait3A_167, %dma_wait3A_169, %dma_wait3A_170] : memref<2x64x32xf32, #tpu.memory_space<vmem>> -> memref<1x64x32xf32, #tpu.memory_space<vmem>>
      %dma_wait3A_172 = tpu.memref_squeeze %dma_wait3A_171 : memref<1x64x32xf32, #tpu.memory_space<vmem>> -> memref<64x32xf32, #tpu.memory_space<vmem>>
      %dma_wait3A_173 = tpu.memref_slice %arg10[%add3A_109] : memref<512xi32, #tpu.memory_space<vmem>> -> memref<64xi32, #tpu.memory_space<vmem>>
      %dma_wait3A_174 = arith.constant 0 : i32
      %dma_wait3A_175 = arith.constant 0 : i32
      %dma_wait3A_176 = tpu.memref_slice %arg2[%dma_wait3A_174, %dma_wait3A_175] : memref<3584x32xf32, #tpu.memory_space<hbm>> -> memref<3584x32xf32, #tpu.memory_space<hbm>>
      %dma_wait3A_177 = tpu.memref_slice %arg16[%dma_wait3A_168] : memref<2x!tpu.dma_semaphore, #tpu.memory_space<semaphore_mem>> -> memref<1x!tpu.dma_semaphore, #tpu.memory_space<semaphore_mem>>
      %dma_wait3A_178 = tpu.memref_squeeze %dma_wait3A_177 : memref<1x!tpu.dma_semaphore, #tpu.memory_space<semaphore_mem>> -> memref<!tpu.dma_semaphore, #tpu.memory_space<semaphore_mem>>
      tpu.wait_indirect_dma semaphore(%dma_wait3A_178 : memref<!tpu.dma_semaphore, #tpu.memory_space<semaphore_mem>>) src(%dma_wait3A_176 : memref<3584x32xf32, #tpu.memory_space<hbm>>) dst(%dma_wait3A_172 : memref<64x32xf32, #tpu.memory_space<vmem>>)
      %iota3A_179 = tpu.iota {dimensions = array<i32: 0>} : vector<16xi32>
      %parallel_loop3A_180 = arith.constant 0 : i32
      %parallel_loop3A_181 = arith.constant 64 : i32
      %parallel_loop3A_182 = arith.constant 16 : i32
      %parallel_loop3A_183 = arith.constant 1 : i32
      scf.for %parallel_loop3A_230 = %parallel_loop3A_180 to %parallel_loop3A_181 step %parallel_loop3A_182  : i32 {
        %parallel_loop3A_231 = arith.addi %add3A_109, %parallel_loop3A_230 : i32
        %parallel_loop3A_232 = arith.index_cast %parallel_loop3A_231 : i32 to index
        %parallel_loop3A_233 = tpu.vector_load %arg9[%parallel_loop3A_232] {strides = array<i32>} : memref<512xf32, #tpu.memory_space<vmem>>, vector<16xf32>,
        %parallel_loop3A_234 = arith.addi %add3A_109, %parallel_loop3A_230 : i32
        %parallel_loop3A_235 = arith.index_cast %parallel_loop3A_234 : i32 to index
        %parallel_loop3A_236 = tpu.vector_load %arg10[%parallel_loop3A_235] {strides = array<i32>} : memref<512xi32, #tpu.memory_space<vmem>>, vector<16xi32>,
        %parallel_loop3A_237 = vector.broadcast %parallel_loop3A_230 : i32 to vector<16xi32>
        %parallel_loop3A_238 = arith.addi %iota3A_179, %parallel_loop3A_237 : vector<16xi32>
        %parallel_loop3A_239 = arith.constant 0 : i32
        %parallel_loop3A_240 = vector.broadcast %parallel_loop3A_239 : i32 to vector<16xi32>
        %parallel_loop3A_241 = arith.constant 32 : i32
        %parallel_loop3A_242 = vector.broadcast %parallel_loop3A_241 : i32 to vector<16xi32>
        %parallel_loop3A_243 = arith.addi %parallel_loop3A_240, %parallel_loop3A_242 : vector<16xi32>
        %parallel_loop3A_244 = arith.constant 32 : i32
        %parallel_loop3A_245 = vector.broadcast %parallel_loop3A_244 : i32 to vector<16xi32>
        %parallel_loop3A_246 = arith.minsi %parallel_loop3A_243, %parallel_loop3A_245 : vector<16xi32>
        %parallel_loop3A_247 = arith.constant 1 : i32
        %parallel_loop3A_248 = vector.broadcast %parallel_loop3A_247 : i32 to vector<16xi32>
        %parallel_loop3A_249 = arith.subi %parallel_loop3A_246, %parallel_loop3A_248 : vector<16xi32>
        %parallel_loop3A_250 = arith.constant 0 : i32
        %parallel_loop3A_251 = arith.constant 0 : i32
        %parallel_loop3A_252 = tpu.memref_slice %arg12[%parallel_loop3A_183, %parallel_loop3A_250, %parallel_loop3A_251] : memref<2x64x32xf32, #tpu.memory_space<vmem>> -> memref<1x64x32xf32, #tpu.memory_space<vmem>>
        %parallel_loop3A_253 = tpu.memref_squeeze %parallel_loop3A_252 : memref<1x64x32xf32, #tpu.memory_space<vmem>> -> memref<64x32xf32, #tpu.memory_space<vmem>>
        %parallel_loop3A_254 = tpu.vector_load_idx %parallel_loop3A_253[%parallel_loop3A_238, %parallel_loop3A_249] : memref<64x32xf32, #tpu.memory_space<vmem>>[vector<16xi32>, vector<16xi32>], vector<16xf32>,
        %parallel_loop3A_255 = arith.constant 32 : i32
        %parallel_loop3A_256 = vector.broadcast %parallel_loop3A_255 : i32 to vector<16xi32>
        %parallel_loop3A_257 = arith.cmpi sle, %parallel_loop3A_243, %parallel_loop3A_256 : vector<16xi32>
        %parallel_loop3A_258 = arith.cmpf ole, %parallel_loop3A_254, %parallel_loop3A_233 : vector<16xf32>
        %parallel_loop3A_259 = arith.andi %parallel_loop3A_257, %parallel_loop3A_258 : vector<16xi1>
        %parallel_loop3A_260 = arith.select %parallel_loop3A_259, %parallel_loop3A_243, %parallel_loop3A_240 : vector<16xi1>, vector<16xi32>
        %parallel_loop3A_261 = arith.constant 16 : i32
        %parallel_loop3A_262 = vector.broadcast %parallel_loop3A_261 : i32 to vector<16xi32>
        %parallel_loop3A_263 = arith.addi %parallel_loop3A_260, %parallel_loop3A_262 : vector<16xi32>
        %parallel_loop3A_264 = arith.constant 32 : i32
        %parallel_loop3A_265 = vector.broadcast %parallel_loop3A_264 : i32 to vector<16xi32>
        %parallel_loop3A_266 = arith.minsi %parallel_loop3A_263, %parallel_loop3A_265 : vector<16xi32>
        %parallel_loop3A_267 = arith.constant 1 : i32
        %parallel_loop3A_268 = vector.broadcast %parallel_loop3A_267 : i32 to vector<16xi32>
        %parallel_loop3A_269 = arith.subi %parallel_loop3A_266, %parallel_loop3A_268 : vector<16xi32>
        %parallel_loop3A_270 = arith.constant 0 : i32
        %parallel_loop3A_271 = arith.constant 0 : i32
        %parallel_loop3A_272 = tpu.memref_slice %arg12[%parallel_loop3A_183, %parallel_loop3A_270, %parallel_loop3A_271] : memref<2x64x32xf32, #tpu.memory_space<vmem>> -> memref<1x64x32xf32, #tpu.memory_space<vmem>>
        %parallel_loop3A_273 = tpu.memref_squeeze %parallel_loop3A_272 : memref<1x64x32xf32, #tpu.memory_space<vmem>> -> memref<64x32xf32, #tpu.memory_space<vmem>>
        %parallel_loop3A_274 = tpu.vector_load_idx %parallel_loop3A_273[%parallel_loop3A_238, %parallel_loop3A_269] : memref<64x32xf32, #tpu.memory_space<vmem>>[vector<16xi32>, vector<16xi32>], vector<16xf32>,
        %parallel_loop3A_275 = arith.constant 32 : i32
        %parallel_loop3A_276 = vector.broadcast %parallel_loop3A_275 : i32 to vector<16xi32>
        %parallel_loop3A_277 = arith.cmpi sle, %parallel_loop3A_263, %parallel_loop3A_276 : vector<16xi32>
        %parallel_loop3A_278 = arith.cmpf ole, %parallel_loop3A_274, %parallel_loop3A_233 : vector<16xf32>
        %parallel_loop3A_279 = arith.andi %parallel_loop3A_277, %parallel_loop3A_278 : vector<16xi1>
        %parallel_loop3A_280 = arith.select %parallel_loop3A_279, %parallel_loop3A_263, %parallel_loop3A_260 : vector<16xi1>, vector<16xi32>
        %parallel_loop3A_281 = arith.constant 8 : i32
        %parallel_loop3A_282 = vector.broadcast %parallel_loop3A_281 : i32 to vector<16xi32>
        %parallel_loop3A_283 = arith.addi %parallel_loop3A_280, %parallel_loop3A_282 : vector<16xi32>
        %parallel_loop3A_284 = arith.constant 32 : i32
        %parallel_loop3A_285 = vector.broadcast %parallel_loop3A_284 : i32 to vector<16xi32>
        %parallel_loop3A_286 = arith.minsi %parallel_loop3A_283, %parallel_loop3A_285 : vector<16xi32>
        %parallel_loop3A_287 = arith.constant 1 : i32
        %parallel_loop3A_288 = vector.broadcast %parallel_loop3A_287 : i32 to vector<16xi32>
        %parallel_loop3A_289 = arith.subi %parallel_loop3A_286, %parallel_loop3A_288 : vector<16xi32>
        %parallel_loop3A_290 = arith.constant 0 : i32
        %parallel_loop3A_291 = arith.constant 0 : i32
        %parallel_loop3A_292 = tpu.memref_slice %arg12[%parallel_loop3A_183, %parallel_loop3A_290, %parallel_loop3A_291] : memref<2x64x32xf32, #tpu.memory_space<vmem>> -> memref<1x64x32xf32, #tpu.memory_space<vmem>>
        %parallel_loop3A_293 = tpu.memref_squeeze %parallel_loop3A_292 : memref<1x64x32xf32, #tpu.memory_space<vmem>> -> memref<64x32xf32, #tpu.memory_space<vmem>>
        %parallel_loop3A_294 = tpu.vector_load_idx %parallel_loop3A_293[%parallel_loop3A_238, %parallel_loop3A_289] : memref<64x32xf32, #tpu.memory_space<vmem>>[vector<16xi32>, vector<16xi32>], vector<16xf32>,
        %parallel_loop3A_295 = arith.constant 32 : i32
        %parallel_loop3A_296 = vector.broadcast %parallel_loop3A_295 : i32 to vector<16xi32>
        %parallel_loop3A_297 = arith.cmpi sle, %parallel_loop3A_283, %parallel_loop3A_296 : vector<16xi32>
        %parallel_loop3A_298 = arith.cmpf ole, %parallel_loop3A_294, %parallel_loop3A_233 : vector<16xf32>
        %parallel_loop3A_299 = arith.andi %parallel_loop3A_297, %parallel_loop3A_298 : vector<16xi1>
        %parallel_loop3A_300 = arith.select %parallel_loop3A_299, %parallel_loop3A_283, %parallel_loop3A_280 : vector<16xi1>, vector<16xi32>
        %parallel_loop3A_301 = arith.constant 4 : i32
        %parallel_loop3A_302 = vector.broadcast %parallel_loop3A_301 : i32 to vector<16xi32>
        %parallel_loop3A_303 = arith.addi %parallel_loop3A_300, %parallel_loop3A_302 : vector<16xi32>
        %parallel_loop3A_304 = arith.constant 32 : i32
        %parallel_loop3A_305 = vector.broadcast %parallel_loop3A_304 : i32 to vector<16xi32>
        %parallel_loop3A_306 = arith.minsi %parallel_loop3A_303, %parallel_loop3A_305 : vector<16xi32>
        %parallel_loop3A_307 = arith.constant 1 : i32
        %parallel_loop3A_308 = vector.broadcast %parallel_loop3A_307 : i32 to vector<16xi32>
        %parallel_loop3A_309 = arith.subi %parallel_loop3A_306, %parallel_loop3A_308 : vector<16xi32>
        %parallel_loop3A_310 = arith.constant 0 : i32
        %parallel_loop3A_311 = arith.constant 0 : i32
        %parallel_loop3A_312 = tpu.memref_slice %arg12[%parallel_loop3A_183, %parallel_loop3A_310, %parallel_loop3A_311] : memref<2x64x32xf32, #tpu.memory_space<vmem>> -> memref<1x64x32xf32, #tpu.memory_space<vmem>>
        %parallel_loop3A_313 = tpu.memref_squeeze %parallel_loop3A_312 : memref<1x64x32xf32, #tpu.memory_space<vmem>> -> memref<64x32xf32, #tpu.memory_space<vmem>>
        %parallel_loop3A_314 = tpu.vector_load_idx %parallel_loop3A_313[%parallel_loop3A_238, %parallel_loop3A_309] : memref<64x32xf32, #tpu.memory_space<vmem>>[vector<16xi32>, vector<16xi32>], vector<16xf32>,
        %parallel_loop3A_315 = arith.constant 32 : i32
        %parallel_loop3A_316 = vector.broadcast %parallel_loop3A_315 : i32 to vector<16xi32>
        %parallel_loop3A_317 = arith.cmpi sle, %parallel_loop3A_303, %parallel_loop3A_316 : vector<16xi32>
        %parallel_loop3A_318 = arith.cmpf ole, %parallel_loop3A_314, %parallel_loop3A_233 : vector<16xf32>
        %parallel_loop3A_319 = arith.andi %parallel_loop3A_317, %parallel_loop3A_318 : vector<16xi1>
        %parallel_loop3A_320 = arith.select %parallel_loop3A_319, %parallel_loop3A_303, %parallel_loop3A_300 : vector<16xi1>, vector<16xi32>
        %parallel_loop3A_321 = arith.constant 2 : i32
        %parallel_loop3A_322 = vector.broadcast %parallel_loop3A_321 : i32 to vector<16xi32>
        %parallel_loop3A_323 = arith.addi %parallel_loop3A_320, %parallel_loop3A_322 : vector<16xi32>
        %parallel_loop3A_324 = arith.constant 32 : i32
        %parallel_loop3A_325 = vector.broadcast %parallel_loop3A_324 : i32 to vector<16xi32>
        %parallel_loop3A_326 = arith.minsi %parallel_loop3A_323, %parallel_loop3A_325 : vector<16xi32>
        %parallel_loop3A_327 = arith.constant 1 : i32
        %parallel_loop3A_328 = vector.broadcast %parallel_loop3A_327 : i32 to vector<16xi32>
        %parallel_loop3A_329 = arith.subi %parallel_loop3A_326, %parallel_loop3A_328 : vector<16xi32>
        %parallel_loop3A_330 = arith.constant 0 : i32
        %parallel_loop3A_331 = arith.constant 0 : i32
        %parallel_loop3A_332 = tpu.memref_slice %arg12[%parallel_loop3A_183, %parallel_loop3A_330, %parallel_loop3A_331] : memref<2x64x32xf32, #tpu.memory_space<vmem>> -> memref<1x64x32xf32, #tpu.memory_space<vmem>>
        %parallel_loop3A_333 = tpu.memref_squeeze %parallel_loop3A_332 : memref<1x64x32xf32, #tpu.memory_space<vmem>> -> memref<64x32xf32, #tpu.memory_space<vmem>>
        %parallel_loop3A_334 = tpu.vector_load_idx %parallel_loop3A_333[%parallel_loop3A_238, %parallel_loop3A_329] : memref<64x32xf32, #tpu.memory_space<vmem>>[vector<16xi32>, vector<16xi32>], vector<16xf32>,
        %parallel_loop3A_335 = arith.constant 32 : i32
        %parallel_loop3A_336 = vector.broadcast %parallel_loop3A_335 : i32 to vector<16xi32>
        %parallel_loop3A_337 = arith.cmpi sle, %parallel_loop3A_323, %parallel_loop3A_336 : vector<16xi32>
        %parallel_loop3A_338 = arith.cmpf ole, %parallel_loop3A_334, %parallel_loop3A_233 : vector<16xf32>
        %parallel_loop3A_339 = arith.andi %parallel_loop3A_337, %parallel_loop3A_338 : vector<16xi1>
        %parallel_loop3A_340 = arith.select %parallel_loop3A_339, %parallel_loop3A_323, %parallel_loop3A_320 : vector<16xi1>, vector<16xi32>
        %parallel_loop3A_341 = arith.constant 1 : i32
        %parallel_loop3A_342 = vector.broadcast %parallel_loop3A_341 : i32 to vector<16xi32>
        %parallel_loop3A_343 = arith.addi %parallel_loop3A_340, %parallel_loop3A_342 : vector<16xi32>
        %parallel_loop3A_344 = arith.constant 32 : i32
        %parallel_loop3A_345 = vector.broadcast %parallel_loop3A_344 : i32 to vector<16xi32>
        %parallel_loop3A_346 = arith.minsi %parallel_loop3A_343, %parallel_loop3A_345 : vector<16xi32>
        %parallel_loop3A_347 = arith.constant 1 : i32
        %parallel_loop3A_348 = vector.broadcast %parallel_loop3A_347 : i32 to vector<16xi32>
        %parallel_loop3A_349 = arith.subi %parallel_loop3A_346, %parallel_loop3A_348 : vector<16xi32>
        %parallel_loop3A_350 = arith.constant 0 : i32
        %parallel_loop3A_351 = arith.constant 0 : i32
        %parallel_loop3A_352 = tpu.memref_slice %arg12[%parallel_loop3A_183, %parallel_loop3A_350, %parallel_loop3A_351] : memref<2x64x32xf32, #tpu.memory_space<vmem>> -> memref<1x64x32xf32, #tpu.memory_space<vmem>>
        %parallel_loop3A_353 = tpu.memref_squeeze %parallel_loop3A_352 : memref<1x64x32xf32, #tpu.memory_space<vmem>> -> memref<64x32xf32, #tpu.memory_space<vmem>>
        %parallel_loop3A_354 = tpu.vector_load_idx %parallel_loop3A_353[%parallel_loop3A_238, %parallel_loop3A_349] : memref<64x32xf32, #tpu.memory_space<vmem>>[vector<16xi32>, vector<16xi32>], vector<16xf32>,
        %parallel_loop3A_355 = arith.constant 32 : i32
        %parallel_loop3A_356 = vector.broadcast %parallel_loop3A_355 : i32 to vector<16xi32>
        %parallel_loop3A_357 = arith.cmpi sle, %parallel_loop3A_343, %parallel_loop3A_356 : vector<16xi32>
        %parallel_loop3A_358 = arith.cmpf ole, %parallel_loop3A_354, %parallel_loop3A_233 : vector<16xf32>
        %parallel_loop3A_359 = arith.andi %parallel_loop3A_357, %parallel_loop3A_358 : vector<16xi1>
        %parallel_loop3A_360 = arith.select %parallel_loop3A_359, %parallel_loop3A_343, %parallel_loop3A_340 : vector<16xi1>, vector<16xi32>
        %parallel_loop3A_361 = arith.constant 32 : i32
        %parallel_loop3A_362 = vector.broadcast %parallel_loop3A_361 : i32 to vector<16xi32>
        %parallel_loop3A_363 = arith.muli %parallel_loop3A_236, %parallel_loop3A_362 : vector<16xi32>
        %parallel_loop3A_364 = arith.addi %parallel_loop3A_363, %parallel_loop3A_360 : vector<16xi32>
        %parallel_loop3A_365 = arith.constant 0 : i32
        %parallel_loop3A_366 = vector.broadcast %parallel_loop3A_365 : i32 to vector<16xi32>
        %parallel_loop3A_367 = arith.cmpi eq, %parallel_loop3A_364, %parallel_loop3A_366 : vector<16xi32>
        %parallel_loop3A_368 = arith.constant 1 : i32
        %parallel_loop3A_369 = vector.broadcast %parallel_loop3A_368 : i32 to vector<16xi32>
        %parallel_loop3A_370 = arith.subi %parallel_loop3A_364, %parallel_loop3A_369 : vector<16xi32>
        %parallel_loop3A_371 = arith.constant 99999 : i32
        %parallel_loop3A_372 = vector.broadcast %parallel_loop3A_371 : i32 to vector<16xi32>
        %parallel_loop3A_373 = arith.select %parallel_loop3A_367, %parallel_loop3A_372, %parallel_loop3A_370 : vector<16xi1>, vector<16xi32>
        %parallel_loop3A_374 = arith.addi %add3A_109, %parallel_loop3A_230 : i32
        %parallel_loop3A_375 = arith.index_cast %parallel_loop3A_374 : i32 to index
        %parallel_loop3A_376 = tpu.vector_load %arg11[%parallel_loop3A_375] {strides = array<i32>} : memref<512xi32, #tpu.memory_space<vmem>>, vector<16xi32>,
        tpu.vector_store %arg11[%parallel_loop3A_375], %parallel_loop3A_373 {strides = array<i32>} : memref<512xi32, #tpu.memory_space<vmem>>, vector<16xi32>,
      } {sc.loop_unroll_factor = 4 : i64, sc.parallel_access}
      %dma_wait3A_184 = arith.constant 0 : i32
      %dma_wait3A_185 = arith.constant 0 : i32
      %dma_wait3A_186 = arith.constant 0 : i32
      %dma_wait3A_187 = arith.constant 0 : i32
      %dma_wait3A_188 = tpu.memref_slice %arg13[%dma_wait3A_184, %dma_wait3A_186, %dma_wait3A_187] : memref<2x64x128xf32, #tpu.memory_space<vmem>> -> memref<1x64x128xf32, #tpu.memory_space<vmem>>
      %dma_wait3A_189 = tpu.memref_squeeze %dma_wait3A_188 : memref<1x64x128xf32, #tpu.memory_space<vmem>> -> memref<64x128xf32, #tpu.memory_space<vmem>>
      %dma_wait3A_190 = tpu.memref_slice %arg11[%mul3A_107] : memref<512xi32, #tpu.memory_space<vmem>> -> memref<64xi32, #tpu.memory_space<vmem>>
      %dma_wait3A_191 = arith.constant 0 : i32
      %dma_wait3A_192 = arith.constant 0 : i32
      %dma_wait3A_193 = tpu.memref_slice %arg3[%dma_wait3A_191, %dma_wait3A_192] : memref<100000x128xf32, #tpu.memory_space<hbm>> -> memref<100000x128xf32, #tpu.memory_space<hbm>>
      %dma_wait3A_194 = tpu.memref_slice %arg17[%dma_wait3A_185] : memref<2x!tpu.dma_semaphore, #tpu.memory_space<semaphore_mem>> -> memref<1x!tpu.dma_semaphore, #tpu.memory_space<semaphore_mem>>
      %dma_wait3A_195 = tpu.memref_squeeze %dma_wait3A_194 : memref<1x!tpu.dma_semaphore, #tpu.memory_space<semaphore_mem>> -> memref<!tpu.dma_semaphore, #tpu.memory_space<semaphore_mem>>
      tpu.wait_indirect_dma semaphore(%dma_wait3A_195 : memref<!tpu.dma_semaphore, #tpu.memory_space<semaphore_mem>>) src(%dma_wait3A_193 : memref<100000x128xf32, #tpu.memory_space<hbm>>) dst(%dma_wait3A_189 : memref<64x128xf32, #tpu.memory_space<vmem>>)
      %add3A_196 = arith.addi %mul3A_2, %mul3A_107 : i32
      %dma_start3A_197 = arith.constant 0 : i32
      %dma_start3A_198 = arith.constant 0 : i32
      %dma_start3A_199 = arith.constant 0 : i32
      %dma_start3A_200 = arith.constant 0 : i32
      %dma_start3A_201 = tpu.memref_slice %arg13[%dma_start3A_197, %dma_start3A_199, %dma_start3A_200] : memref<2x64x128xf32, #tpu.memory_space<vmem>> -> memref<1x64x128xf32, #tpu.memory_space<vmem>>
      %dma_start3A_202 = tpu.memref_squeeze %dma_start3A_201 : memref<1x64x128xf32, #tpu.memory_space<vmem>> -> memref<64x128xf32, #tpu.memory_space<vmem>>
      %dma_start3A_203 = arith.constant 0 : i32
      %dma_start3A_204 = tpu.memref_slice %arg5[%add3A_196, %dma_start3A_203] : memref<16384x128xf32, #tpu.memory_space<hbm>> -> memref<64x128xf32, #tpu.memory_space<hbm>>
      %dma_start3A_205 = tpu.memref_slice %arg18[%dma_start3A_198] : memref<2x!tpu.dma_semaphore, #tpu.memory_space<semaphore_mem>> -> memref<1x!tpu.dma_semaphore, #tpu.memory_space<semaphore_mem>>
      %dma_start3A_206 = tpu.memref_squeeze %dma_start3A_205 : memref<1x!tpu.dma_semaphore, #tpu.memory_space<semaphore_mem>> -> memref<!tpu.dma_semaphore, #tpu.memory_space<semaphore_mem>>
      %dma_start3A_207 = arith.constant 0 : i32
      %dma_start3A_208 = tpu.memref_slice %arg5[%add3A_196, %dma_start3A_207] : memref<16384x128xf32, #tpu.memory_space<hbm>> -> memref<64x128xf32, #tpu.memory_space<hbm>>
      %dma_start3A_209 = arith.constant 0 : i32
      %dma_start3A_210 = arith.constant 0 : i32
      %dma_start3A_211 = tpu.memref_slice %arg13[%dma_start3A_197, %dma_start3A_209, %dma_start3A_210] : memref<2x64x128xf32, #tpu.memory_space<vmem>> -> memref<1x64x128xf32, #tpu.memory_space<vmem>>
      %dma_start3A_212 = tpu.memref_squeeze %dma_start3A_211 : memref<1x64x128xf32, #tpu.memory_space<vmem>> -> memref<64x128xf32, #tpu.memory_space<vmem>>
      tpu.enqueue_dma source(%dma_start3A_212 : memref<64x128xf32, #tpu.memory_space<vmem>>) target(%dma_start3A_208 : memref<64x128xf32, #tpu.memory_space<hbm>>) target_semaphore(%dma_start3A_206 : memref<!tpu.dma_semaphore, #tpu.memory_space<semaphore_mem>>)
      %gt3A_213 = arith.constant 0 : i32
      %gt3A_214 = arith.cmpi sgt, %add3A_103, %gt3A_213 : i32
      %convert_element_type3A_215 = arith.extui %gt3A_214 : i1 to i32
      %cond3A_216 = arith.constant 0 : i32
      %cond3A_217 = arith.cmpi ne, %convert_element_type3A_215, %cond3A_216 : i32
      scf.if %cond3A_217 {
        %sub3A = arith.constant 128 : i32
        %sub3A_230 = arith.subi %add3A_109, %sub3A : i32
        %add3A_231 = arith.addi %mul3A_2, %sub3A_230 : i32
        %dma_wait3A_232 = arith.constant 1 : i32
        %dma_wait3A_233 = arith.constant 1 : i32
        %dma_wait3A_234 = arith.constant 0 : i32
        %dma_wait3A_235 = arith.constant 0 : i32
        %dma_wait3A_236 = tpu.memref_slice %arg13[%dma_wait3A_232, %dma_wait3A_234, %dma_wait3A_235] : memref<2x64x128xf32, #tpu.memory_space<vmem>> -> memref<1x64x128xf32, #tpu.memory_space<vmem>>
        %dma_wait3A_237 = tpu.memref_squeeze %dma_wait3A_236 : memref<1x64x128xf32, #tpu.memory_space<vmem>> -> memref<64x128xf32, #tpu.memory_space<vmem>>
        %dma_wait3A_238 = arith.constant 0 : i32
        %dma_wait3A_239 = tpu.memref_slice %arg5[%add3A_231, %dma_wait3A_238] : memref<16384x128xf32, #tpu.memory_space<hbm>> -> memref<64x128xf32, #tpu.memory_space<hbm>>
        %dma_wait3A_240 = tpu.memref_slice %arg18[%dma_wait3A_233] : memref<2x!tpu.dma_semaphore, #tpu.memory_space<semaphore_mem>> -> memref<1x!tpu.dma_semaphore, #tpu.memory_space<semaphore_mem>>
        %dma_wait3A_241 = tpu.memref_squeeze %dma_wait3A_240 : memref<1x!tpu.dma_semaphore, #tpu.memory_space<semaphore_mem>> -> memref<!tpu.dma_semaphore, #tpu.memory_space<semaphore_mem>>
        %dma_wait3A_242 = arith.constant 0 : i32
        %dma_wait3A_243 = tpu.memref_slice %arg5[%add3A_231, %dma_wait3A_242] : memref<16384x128xf32, #tpu.memory_space<hbm>> -> memref<64x128xf32, #tpu.memory_space<hbm>>
        %dma_wait3A_244 = arith.constant 0 : i32
        %dma_wait3A_245 = arith.constant 0 : i32
        %dma_wait3A_246 = tpu.memref_slice %arg13[%dma_wait3A_232, %dma_wait3A_244, %dma_wait3A_245] : memref<2x64x128xf32, #tpu.memory_space<vmem>> -> memref<1x64x128xf32, #tpu.memory_space<vmem>>
        %dma_wait3A_247 = tpu.memref_squeeze %dma_wait3A_246 : memref<1x64x128xf32, #tpu.memory_space<vmem>> -> memref<64x128xf32, #tpu.memory_space<vmem>>
        tpu.wait_dma2 semaphore(%dma_wait3A_241 : memref<!tpu.dma_semaphore, #tpu.memory_space<semaphore_mem>>) src(%dma_wait3A_247 : memref<64x128xf32, #tpu.memory_space<vmem>>) dst(%dma_wait3A_243 : memref<64x128xf32, #tpu.memory_space<hbm>>)
      } else {
      }
      %dma_start3A_218 = arith.constant 1 : i32
      %dma_start3A_219 = arith.constant 1 : i32
      %dma_start3A_220 = arith.constant 0 : i32
      %dma_start3A_221 = arith.constant 0 : i32
      %dma_start3A_222 = tpu.memref_slice %arg13[%dma_start3A_218, %dma_start3A_220, %dma_start3A_221] : memref<2x64x128xf32, #tpu.memory_space<vmem>> -> memref<1x64x128xf32, #tpu.memory_space<vmem>>
      %dma_start3A_223 = tpu.memref_squeeze %dma_start3A_222 : memref<1x64x128xf32, #tpu.memory_space<vmem>> -> memref<64x128xf32, #tpu.memory_space<vmem>>
      %dma_start3A_224 = tpu.memref_slice %arg11[%add3A_109] : memref<512xi32, #tpu.memory_space<vmem>> -> memref<64xi32, #tpu.memory_space<vmem>>
      %dma_start3A_225 = arith.constant 0 : i32
      %dma_start3A_226 = arith.constant 0 : i32
      %dma_start3A_227 = tpu.memref_slice %arg3[%dma_start3A_225, %dma_start3A_226] : memref<100000x128xf32, #tpu.memory_space<hbm>> -> memref<100000x128xf32, #tpu.memory_space<hbm>>
      %dma_start3A_228 = tpu.memref_slice %arg17[%dma_start3A_219] : memref<2x!tpu.dma_semaphore, #tpu.memory_space<semaphore_mem>> -> memref<1x!tpu.dma_semaphore, #tpu.memory_space<semaphore_mem>>
      %dma_start3A_229 = tpu.memref_squeeze %dma_start3A_228 : memref<1x!tpu.dma_semaphore, #tpu.memory_space<semaphore_mem>> -> memref<!tpu.dma_semaphore, #tpu.memory_space<semaphore_mem>>
      tpu.enqueue_indirect_dma source(%dma_start3A_227 : memref<100000x128xf32, #tpu.memory_space<hbm>>) target(%dma_start3A_223 : memref<64x128xf32, #tpu.memory_space<vmem>>) offsets(%dma_start3A_224 : memref<64xi32, #tpu.memory_space<vmem>>) semaphore(%dma_start3A_229 : memref<!tpu.dma_semaphore, #tpu.memory_space<semaphore_mem>>)
    }
    %scan3A_31 = arith.constant 4 : i32
    %dma_wait3A_32 = arith.constant 1 : i32
    %dma_wait3A_33 = arith.constant 1 : i32
    %dma_wait3A_34 = arith.constant 0 : i32
    %dma_wait3A_35 = arith.constant 0 : i32
    %dma_wait3A_36 = tpu.memref_slice %arg13[%dma_wait3A_32, %dma_wait3A_34, %dma_wait3A_35] : memref<2x64x128xf32, #tpu.memory_space<vmem>> -> memref<1x64x128xf32, #tpu.memory_space<vmem>>
    %dma_wait3A_37 = tpu.memref_squeeze %dma_wait3A_36 : memref<1x64x128xf32, #tpu.memory_space<vmem>> -> memref<64x128xf32, #tpu.memory_space<vmem>>
    %dma_wait3A_38 = arith.constant 448 : i32
    %dma_wait3A_39 = tpu.memref_slice %arg11[%dma_wait3A_38] : memref<512xi32, #tpu.memory_space<vmem>> -> memref<64xi32, #tpu.memory_space<vmem>>
    %dma_wait3A_40 = arith.constant 0 : i32
    %dma_wait3A_41 = arith.constant 0 : i32
    %dma_wait3A_42 = tpu.memref_slice %arg3[%dma_wait3A_40, %dma_wait3A_41] : memref<100000x128xf32, #tpu.memory_space<hbm>> -> memref<100000x128xf32, #tpu.memory_space<hbm>>
    %dma_wait3A_43 = tpu.memref_slice %arg17[%dma_wait3A_33] : memref<2x!tpu.dma_semaphore, #tpu.memory_space<semaphore_mem>> -> memref<1x!tpu.dma_semaphore, #tpu.memory_space<semaphore_mem>>
    %dma_wait3A_44 = tpu.memref_squeeze %dma_wait3A_43 : memref<1x!tpu.dma_semaphore, #tpu.memory_space<semaphore_mem>> -> memref<!tpu.dma_semaphore, #tpu.memory_space<semaphore_mem>>
    tpu.wait_indirect_dma semaphore(%dma_wait3A_44 : memref<!tpu.dma_semaphore, #tpu.memory_space<semaphore_mem>>) src(%dma_wait3A_42 : memref<100000x128xf32, #tpu.memory_space<hbm>>) dst(%dma_wait3A_37 : memref<64x128xf32, #tpu.memory_space<vmem>>)
    %add3A_45 = arith.constant 448 : i32
    %add3A_46 = arith.addi %mul3A_2, %add3A_45 : i32
    %dma_start3A_47 = arith.constant 1 : i32
    %dma_start3A_48 = arith.constant 1 : i32
    %dma_start3A_49 = arith.constant 0 : i32
    %dma_start3A_50 = arith.constant 0 : i32
    %dma_start3A_51 = tpu.memref_slice %arg13[%dma_start3A_47, %dma_start3A_49, %dma_start3A_50] : memref<2x64x128xf32, #tpu.memory_space<vmem>> -> memref<1x64x128xf32, #tpu.memory_space<vmem>>
    %dma_start3A_52 = tpu.memref_squeeze %dma_start3A_51 : memref<1x64x128xf32, #tpu.memory_space<vmem>> -> memref<64x128xf32, #tpu.memory_space<vmem>>
    %dma_start3A_53 = arith.constant 0 : i32
    %dma_start3A_54 = tpu.memref_slice %arg5[%add3A_46, %dma_start3A_53] : memref<16384x128xf32, #tpu.memory_space<hbm>> -> memref<64x128xf32, #tpu.memory_space<hbm>>
    %dma_start3A_55 = tpu.memref_slice %arg18[%dma_start3A_48] : memref<2x!tpu.dma_semaphore, #tpu.memory_space<semaphore_mem>> -> memref<1x!tpu.dma_semaphore, #tpu.memory_space<semaphore_mem>>
    %dma_start3A_56 = tpu.memref_squeeze %dma_start3A_55 : memref<1x!tpu.dma_semaphore, #tpu.memory_space<semaphore_mem>> -> memref<!tpu.dma_semaphore, #tpu.memory_space<semaphore_mem>>
    %dma_start3A_57 = arith.constant 0 : i32
    %dma_start3A_58 = tpu.memref_slice %arg5[%add3A_46, %dma_start3A_57] : memref<16384x128xf32, #tpu.memory_space<hbm>> -> memref<64x128xf32, #tpu.memory_space<hbm>>
    %dma_start3A_59 = arith.constant 0 : i32
    %dma_start3A_60 = arith.constant 0 : i32
    %dma_start3A_61 = tpu.memref_slice %arg13[%dma_start3A_47, %dma_start3A_59, %dma_start3A_60] : memref<2x64x128xf32, #tpu.memory_space<vmem>> -> memref<1x64x128xf32, #tpu.memory_space<vmem>>
    %dma_start3A_62 = tpu.memref_squeeze %dma_start3A_61 : memref<1x64x128xf32, #tpu.memory_space<vmem>> -> memref<64x128xf32, #tpu.memory_space<vmem>>
    tpu.enqueue_dma source(%dma_start3A_62 : memref<64x128xf32, #tpu.memory_space<vmem>>) target(%dma_start3A_58 : memref<64x128xf32, #tpu.memory_space<hbm>>) target_semaphore(%dma_start3A_56 : memref<!tpu.dma_semaphore, #tpu.memory_space<semaphore_mem>>)
    %add3A_63 = arith.constant 384 : i32
    %add3A_64 = arith.addi %mul3A_2, %add3A_63 : i32
    %dma_wait3A_65 = arith.constant 0 : i32
    %dma_wait3A_66 = arith.constant 0 : i32
    %dma_wait3A_67 = arith.constant 0 : i32
    %dma_wait3A_68 = arith.constant 0 : i32
    %dma_wait3A_69 = tpu.memref_slice %arg13[%dma_wait3A_65, %dma_wait3A_67, %dma_wait3A_68] : memref<2x64x128xf32, #tpu.memory_space<vmem>> -> memref<1x64x128xf32, #tpu.memory_space<vmem>>
    %dma_wait3A_70 = tpu.memref_squeeze %dma_wait3A_69 : memref<1x64x128xf32, #tpu.memory_space<vmem>> -> memref<64x128xf32, #tpu.memory_space<vmem>>
    %dma_wait3A_71 = arith.constant 0 : i32
    %dma_wait3A_72 = tpu.memref_slice %arg5[%add3A_64, %dma_wait3A_71] : memref<16384x128xf32, #tpu.memory_space<hbm>> -> memref<64x128xf32, #tpu.memory_space<hbm>>
    %dma_wait3A_73 = tpu.memref_slice %arg18[%dma_wait3A_66] : memref<2x!tpu.dma_semaphore, #tpu.memory_space<semaphore_mem>> -> memref<1x!tpu.dma_semaphore, #tpu.memory_space<semaphore_mem>>
    %dma_wait3A_74 = tpu.memref_squeeze %dma_wait3A_73 : memref<1x!tpu.dma_semaphore, #tpu.memory_space<semaphore_mem>> -> memref<!tpu.dma_semaphore, #tpu.memory_space<semaphore_mem>>
    %dma_wait3A_75 = arith.constant 0 : i32
    %dma_wait3A_76 = tpu.memref_slice %arg5[%add3A_64, %dma_wait3A_75] : memref<16384x128xf32, #tpu.memory_space<hbm>> -> memref<64x128xf32, #tpu.memory_space<hbm>>
    %dma_wait3A_77 = arith.constant 0 : i32
    %dma_wait3A_78 = arith.constant 0 : i32
    %dma_wait3A_79 = tpu.memref_slice %arg13[%dma_wait3A_65, %dma_wait3A_77, %dma_wait3A_78] : memref<2x64x128xf32, #tpu.memory_space<vmem>> -> memref<1x64x128xf32, #tpu.memory_space<vmem>>
    %dma_wait3A_80 = tpu.memref_squeeze %dma_wait3A_79 : memref<1x64x128xf32, #tpu.memory_space<vmem>> -> memref<64x128xf32, #tpu.memory_space<vmem>>
    tpu.wait_dma2 semaphore(%dma_wait3A_74 : memref<!tpu.dma_semaphore, #tpu.memory_space<semaphore_mem>>) src(%dma_wait3A_80 : memref<64x128xf32, #tpu.memory_space<vmem>>) dst(%dma_wait3A_76 : memref<64x128xf32, #tpu.memory_space<hbm>>)
    %add3A_81 = arith.constant 448 : i32
    %add3A_82 = arith.addi %mul3A_2, %add3A_81 : i32
    %dma_wait3A_83 = arith.constant 1 : i32
    %dma_wait3A_84 = arith.constant 1 : i32
    %dma_wait3A_85 = arith.constant 0 : i32
    %dma_wait3A_86 = arith.constant 0 : i32
    %dma_wait3A_87 = tpu.memref_slice %arg13[%dma_wait3A_83, %dma_wait3A_85, %dma_wait3A_86] : memref<2x64x128xf32, #tpu.memory_space<vmem>> -> memref<1x64x128xf32, #tpu.memory_space<vmem>>
    %dma_wait3A_88 = tpu.memref_squeeze %dma_wait3A_87 : memref<1x64x128xf32, #tpu.memory_space<vmem>> -> memref<64x128xf32, #tpu.memory_space<vmem>>
    %dma_wait3A_89 = arith.constant 0 : i32
    %dma_wait3A_90 = tpu.memref_slice %arg5[%add3A_82, %dma_wait3A_89] : memref<16384x128xf32, #tpu.memory_space<hbm>> -> memref<64x128xf32, #tpu.memory_space<hbm>>
    %dma_wait3A_91 = tpu.memref_slice %arg18[%dma_wait3A_84] : memref<2x!tpu.dma_semaphore, #tpu.memory_space<semaphore_mem>> -> memref<1x!tpu.dma_semaphore, #tpu.memory_space<semaphore_mem>>
    %dma_wait3A_92 = tpu.memref_squeeze %dma_wait3A_91 : memref<1x!tpu.dma_semaphore, #tpu.memory_space<semaphore_mem>> -> memref<!tpu.dma_semaphore, #tpu.memory_space<semaphore_mem>>
    %dma_wait3A_93 = arith.constant 0 : i32
    %dma_wait3A_94 = tpu.memref_slice %arg5[%add3A_82, %dma_wait3A_93] : memref<16384x128xf32, #tpu.memory_space<hbm>> -> memref<64x128xf32, #tpu.memory_space<hbm>>
    %dma_wait3A_95 = arith.constant 0 : i32
    %dma_wait3A_96 = arith.constant 0 : i32
    %dma_wait3A_97 = tpu.memref_slice %arg13[%dma_wait3A_83, %dma_wait3A_95, %dma_wait3A_96] : memref<2x64x128xf32, #tpu.memory_space<vmem>> -> memref<1x64x128xf32, #tpu.memory_space<vmem>>
    %dma_wait3A_98 = tpu.memref_squeeze %dma_wait3A_97 : memref<1x64x128xf32, #tpu.memory_space<vmem>> -> memref<64x128xf32, #tpu.memory_space<vmem>>
    tpu.wait_dma2 semaphore(%dma_wait3A_92 : memref<!tpu.dma_semaphore, #tpu.memory_space<semaphore_mem>>) src(%dma_wait3A_98 : memref<64x128xf32, #tpu.memory_space<vmem>>) dst(%dma_wait3A_94 : memref<64x128xf32, #tpu.memory_space<hbm>>)
    return
  }
}

</mosaic_0001>

<sc_bundles>
// kernel: kernel.3.cloned.1.call-start
scs
__scs_entry_jumppad:
0x0: {  	(pc) =	sbr.rel $0x88, $3  }
0x1: {  	(tag) =	ssettag $0x0;
	lr =	simm.s32 $0x1  }
0x2: {  	[smem:$0x3F9E] =	sst lr;
	_ =	strace $0xD0000000  }
0x3: {  	_ = 	snop  }
0x4: {  	_ = 	snop  }
0x5: {  	_ = 	snop  }
0x6: {  	_ = 	snop  }
0x7: {  	_ = 	snop  }
__scs_overlays_trampoline_lowered:
0x8: {  	[smem:$0x3FAD] =	sst s0  }
0x9: {  	[smem:$0x3FAE] =	sst s1  }
0xa: {  	[smem:$0x3FAF] =	sst s2  }
0xb: {  	[smem:$0x3FB0] =	sst s3  }
0xc: {  	[smem:$0x3FB1] =	sst s4  }
0xd: {  	[smem:$0x3FB2] =	sst s5  }
0xe: {  	[smem:$0x3FB3] =	sst s6  }
0xf: {  	[smem:$0x3FB4] =	sst s7  }
0x10: {  	[smem:$0x3FB5] =	sst s8  }
0x11: {  	[smem:$0x3FB6] =	sst s9;
	s0 =	simm.s32 @!p0 $0x0  }
0x12: {  	s1 =	sld [smem:$0x3F9C];
	s0 =	simm.s32 @p0 $0x1  }
0x13: {  	[smem:$0x3FB7] =	sst s0;
	s0 =	simm.s32 @!p1 $0x0  }
0x14: {  	s2 =	sld [smem:$0x3F9B];
	s0 =	simm.s32 @p1 $0x1  }
0x15: {  	[smem:$0x3FB8] =	sst s0;
	s0 =	simm.s32 @!p2 $0x0  }
0x16: {  	s3 =	sld [smem:$0x3FDB];
	s0 =	simm.s32 @p2 $0x1  }
0x17: {  	s4 =	simm.s32 $0x1BF5;
	[smem:$0x3FBA] =	sst s0  }
0x18: {  	s0 =	sld [smem:$0x3F9D];
	_ =	swait.ge [sflag:s4], $0x0  }
0x19: {  	s7 =	sld [smem:$0x3F9E]  }
0x1a: {  	s8 =	sadd.s32 $0xFFFFE003, lr  }
0x1b: {  	s9 =	sadd.s32 $0xFFFFFEF7, lr;
	s5 =	simm.s32 $0xFFFFFFFF;
	p2 =	slt.u32 s8, $0xFFFFF086  }
0x1c: {  	p1 =	slt.u32 s9, $0xF7A;
	s5 =	simm.s32 @!p2 $0x0  }
0x1d: {  	s5 =	simm.s32 @p1 $0x1;
	p0 =	seq.s32 s7, s2  }
0x1e: {  	s7 =	smul.u32 @!p0 $0xF7A, s2;
	p2 =	seq.s32 @!p0 s5, $0x0  }
0x1f: {  	s9 =	smul.u32 $0xF7A, s1;
	s8 =	simm.s32 @!p0 $0x1BF5;
	p2 =	por !p2, p0  }
0x20: {  	[sflag:s8] =	ssyncset.s32 @!p0 $0xFFFFF086;
	s6 =	sadd.s32 @!p0 s3, s7;
	s7 =	simm.s32 @!p0 $0x108  }
0x21: {  	s3 =	sadd.s32 s3, s9;
	s6 =	sadd.s32 @!p0 $0x88, s6;
	s7 =	simm.s32 @p2 $0x1082  }
0x22: {  	[simem:s7], [sflag:s8] =	dma.local @!p0 [hbm:s6], $0xF7A  }
0x23: {  	s9 =	sor.u32 $0xD0000000, s2;
	s6 =	simm.s32 $0x108;
	_ =	swait.ge @!p0 [sflag:s8], $0x0  }
0x24: {  	s3 =	sadd.s32 $0x88, s3;
	s6 =	simm.s32 @!p1 $0x1082;
	[sflag:s4] =	ssyncset.s32 $0xFFFFF086  }
0x25: {  	[simem:s6], [sflag:s4] =	dma.local [hbm:s3], $0xF7A  }
0x26: {  	[smem:$0x3F9E] =	sst s1;
	(tag) =	ssettag s2;
	_ =	strace s9  }
0x27: {  	s1 =	sld [smem:$0x3FAE]  }
0x28: {  	s2 =	sld [smem:$0x3FAF]  }
0x29: {  	s4 =	sld [smem:$0x3FB1]  }
0x2a: {  	p0 =	seq.s32 s5, $0x0;
	s5 =	sld [smem:$0x3FB2]  }
0x2b: {  	s6 =	sld [smem:$0x3FB3]  }
0x2c: {  	s7 =	sld [smem:$0x3FB4]  }
0x2d: {  	s3 =	simm.s32 $0x108;
	s8 =	sld [smem:$0x3FB5]  }
0x2e: {  	s3 =	simm.s32 @!p0 $0x1082;
	s9 =	sld [smem:$0x3FB6]  }
0x2f: {  	lr =	sadd.s32 s0, s3;
	s0 =	sld [smem:$0x3FAD]  }
0x30: {  	s3 =	sld [smem:$0x3FB0]  }
0x31: {  	[smem:$0x3FB9] =	sst s10  }
0x32: {  	s10 =	sld [smem:$0x3FB7];
	_ =	sdelay $0x3  }
0x33: {  	p0 =	seq.s32 s10, $0x1;
	s10 =	sld [smem:$0x3FB9];
	_ =	sdelay $0x3  }
0x34: {  	[smem:$0x3FB9] =	sst s10  }
0x35: {  	s10 =	sld [smem:$0x3FB8];
	_ =	sdelay $0x3  }
0x36: {  	p1 =	seq.s32 s10, $0x1;
	s10 =	sld [smem:$0x3FB9];
	_ =	sdelay $0x3  }
0x37: {  	[smem:$0x3FB9] =	sst s10  }
0x38: {  	s10 =	sld [smem:$0x3FBA]  }
0x39: {  	_ = 	snop;
	(pc) =	sbr.ind lr, $3  }
0x3a: {  	_ = 	snop  }
0x3b: {  	_ = 	snop  }
0x3c: {  	p2 =	seq.s32 s10, $0x1;
	s10 =	sld [smem:$0x3FB9]  }
0x3d: {  	_ =	shalt  }
0x3e: {  	_ =	shalt  }
0x3f: {  	_ =	shalt  }
0x40: {  	_ =	shalt  }
0x41: {  	_ =	shalt  }
0x42: {  	_ =	shalt  }
0x43: {  	_ =	shalt  }
0x44: {  	_ =	shalt  }
0x45: {  	_ =	shalt  }
0x46: {  	_ =	shalt  }
0x47: {  	_ =	shalt  }
0x48: {  	_ =	shalt  }
0x49: {  	_ =	shalt  }
0x4a: {  	_ =	shalt  }
0x4b: {  	_ =	shalt  }
0x4c: {  	_ =	shalt  }
0x4d: {  	_ =	shalt  }
0x4e: {  	_ =	shalt  }
0x4f: {  	_ =	shalt  }
0x50: {  	_ =	shalt  }
0x51: {  	_ =	shalt  }
0x52: {  	_ =	shalt  }
0x53: {  	_ =	shalt  }
0x54: {  	_ =	shalt  }
0x55: {  	_ =	shalt  }
0x56: {  	_ =	shalt  }
0x57: {  	_ =	shalt  }
0x58: {  	_ =	shalt  }
0x59: {  	_ =	shalt  }
0x5a: {  	_ =	shalt  }
0x5b: {  	_ =	shalt  }
0x5c: {  	_ =	shalt  }
0x5d: {  	_ =	shalt  }
0x5e: {  	_ =	shalt  }
0x5f: {  	_ =	shalt  }
0x60: {  	_ =	shalt  }
0x61: {  	_ =	shalt  }
0x62: {  	_ =	shalt  }
0x63: {  	_ =	shalt  }
0x64: {  	_ =	shalt  }
0x65: {  	_ =	shalt  }
0x66: {  	_ =	shalt  }
0x67: {  	_ =	shalt  }
0x68: {  	_ =	shalt  }
0x69: {  	_ =	shalt  }
0x6a: {  	_ =	shalt  }
0x6b: {  	_ =	shalt  }
0x6c: {  	_ =	shalt  }
0x6d: {  	_ =	shalt  }
0x6e: {  	_ =	shalt  }
0x6f: {  	_ =	shalt  }
0x70: {  	_ =	shalt  }
0x71: {  	_ =	shalt  }
0x72: {  	_ =	shalt  }
0x73: {  	_ =	shalt  }
0x74: {  	_ =	shalt  }
0x75: {  	_ =	shalt  }
0x76: {  	_ =	shalt  }
0x77: {  	_ =	shalt  }
0x78: {  	_ =	shalt  }
0x79: {  	_ =	shalt  }
0x7a: {  	_ =	shalt  }
0x7b: {  	_ =	shalt  }
0x7c: {  	_ =	shalt  }
0x7d: {  	_ =	shalt  }
0x7e: {  	_ =	shalt  }
0x7f: {  	_ =	shalt  }
0x80: {  	_ =	shalt  }
0x81: {  	_ =	shalt  }
0x82: {  	_ =	shalt  }
0x83: {  	_ =	shalt  }
0x84: {  	_ =	shalt  }
0x85: {  	_ =	shalt  }
0x86: {  	_ =	shalt  }
0x87: {  	_ =	shalt  }
.Lfunc_end0:
.L_simem_size_0:
called_computation_lowered:
.L_overlay_start_0:
0x88: {  	s2 =	sld [smem:$0x3FD9]  }
0x89: {  	s3 =	sld [smem:$0x3FFE];
	_ =	sdelay $0x1  }
0x8a: {  	s1 =	srdreg.scid  }
0x8b: {  	s0 =	sand.u32 $0x1, s1  }
0x8c: {  	s17 =	sshll.u32 s0, $0xA;
	s2 =	sadd.s32 s3, s2  }
0x8d: {  	s2 =	sadd.s32 s2, s17  }
0x8e: {  	[smem:$0x3FC5] =	sst s2  }
0x8f: {  	_ = 	snop  }
0x90: {  	s2 =	sld [smem:$0x3FC8]  }
0x91: {  	s18 =	sld [smem:$0x3FC7]  }
0x92: {  	s4 =	sld [smem:$0x3FD0];
	(tm) =	ssettm $0x1  }
0x93: {  	s5 =	sld [smem:$0x3FFB];
	_ =	sdelay $0x3  }
0x94: {  	_ =	strace s5  }
0x95: {  	s5 =	sld [smem:$0x3FFC];
	_ =	sdelay $0x3  }
0x96: {  	_ =	strace s5  }
0x97: {  	s5 =	sld [smem:$0x3FFD];
	_ =	sdelay $0x3  }
0x98: {  	_ =	strace s5  }
0x99: {  	_ =	strace $0x8FFFFFFF  }
0x9a: {  	s19 =	sld [smem:$0x3FDB];
	_ =	sdelay $0x1  }
0x9b: {  	s6 =	simm.s32 $_scs_section_size  }
0x9c: {  	s7 =	simm.s32 $_size__tile_overlayer_lowered;
	s8 =	simm.s32 $_tile_overlayer_lowered  }
0x9d: {  	s22 =	simm.s32 $0x1BFF;
	s21 =	sshll.u32 s8, $0x1;
	s5 =	sadd.s32 s6, s19  }
0x9e: {  	s9 =	simm.s32 $0x0;
	s20 =	sshll.u32 s7, $0x1;
	s7 =	sadd.s32 s21, s5  }
0x9f: {  	[timem:s9], [sflag:s22] =	dma.local [hbm:s7], s20  }
0xa0: {  	_ =	swait.ge [sflag:s22], s20  }
0xa1: {  	s6 =	ssub.s32 $0x0, s20;
	[sflag:s22] =	ssyncset.done $0x0  }
0xa2: {  	[sflag:s22] =	ssyncadd.s32 s6;
	_ =	sdelay $0x1  }
0xa3: {  	s23 =	simm.s32 $0x1B8B  }
0xa4: {  	_ =	swait.ge [sflag:s23], $0x1  }
0xa5: {  	[sflag:s23] =	ssyncset.done $0x0  }
0xa6: {  	s25 =	simm.s32 $0x1B8E;
	s24 =	sld [smem:$0x3FFE];
	[sflag:s23] =	ssyncadd.s32 $0xFFFFFFFF  }
0xa7: {  	s26 =	simm.s32 $execute0_lowered;
	[smem:$0x3FD2] =	sst s25  }
0xa8: {  	s7 =	sshll.u32 s26, $0x1;
	_ =	strace $0x80000046;
	[dreg:$0x1] =	wrdreg $0xFFFFFFFF  }
0xa9: {  	s28 =	simm.s32 $_size_execute0_lowered;
	s5 =	sadd.s32 s5, s7;
	[dreg:$0x0] =	wrdreg $0x0  }
0xaa: {  	s7 =	sshll.u32 s28, $0x1;
	[dreg:$0x2] =	wrdreg s5  }
0xab: {  	[dreg:$0x3] =	wrdreg s7  }
0xac: {  	[dreg:$0x4] =	wrdreg $0xC0  }
0xad: {  	_ =	task [dreg:s9], $0x5FFFF  }
0xae: {  	[dreg:$0x1] =	wrdreg $0xFFFFFFFF  }
0xaf: {  	[dreg:$0x0] =	wrdreg $0x60  }
0xb0: {  	[dreg:$0x2] =	wrdreg s24  }
0xb1: {  	[dreg:$0x3] =	wrdreg s2  }
0xb2: {  	[dreg:$0x4] =	wrdreg s18  }
0xb3: {  	[dreg:$0x5] =	wrdreg s4  }
0xb4: {  	[dreg:$0x6] =	wrdreg $0x80E00  }
0xb5: {  	[dreg:$0x7] =	wrdreg $0x9  }
0xb6: {  	_ =	task.clear_ibuf [dreg:s9], $0x8FFFF;
	_ =	strace $0x90000046  }
0xb7: {  	s29 =	simm.s32 $0x9;
	_ =	strace $0x80000048  }
0xb8: {  	_ =	swait.ge [sflag:s29], $0x1  }
0xb9: {  	[sflag:s29] =	ssyncadd.s32 $0xFFFFFFFF  }
0xba: {  	_ =	strace $0x90000048  }
0xbb: {  	_ =	sfence  }
0xbc: {  	s30 =	sld [smem:$0x0];
	_ =	sdelay $0x2  }
0xbd: {  	s31 =	sshll.u32 s1, $0xD;
	s1 =	sshrl.u32 s1, $0x2  }
0xbe: {  	s3 =	sand.u32 $0x4000, s31;
	s1 =	sadd.s32 s1, s30  }
0xbf: {  	s0 =	sor.u32 s3, s0;
	s1 =	sshll.u32 s1, $0x11  }
0xc0: {  	s0 =	sor.u32 s1, s0  }
0xc1: {  	s0 =	sadd.s32 $0x8F2B, s0  }
0xc2: {  	[sflag:s0] =	ssyncadd.remote.s32 $0x1  }
0xc3: {  	_ =	sfence.sel $0xFFFF  }
0xc4: {  	[dreg:$0x0] =	wrdreg $0xFFFFFFFF;
	(pc) =	sbr.abs _section_cstart, $3  }
0xc5: {  	[dreg:$0x1] =	wrdreg $0xFFFFFFFF  }
0xc6: {  	_ =	task.clear_ibuf [dreg:s9], $0x2FFFF;
	_ =	strace $0x9FFFFFFF  }
0xc7: {  	(tm) =	ssettm $0x7FFFFFFF  }
tec
execute0_lowered:
.L_overlay_start_1:
0x0: {  	(tag) =	ssettag $0x1  }
0x1: {  	s0 =	rddreg [dreg:$0x0]  }
0x2: {  	s1 =	rddreg [dreg:$0x1]  }
0x3: {  	s4 =	rddreg [dreg:$0x2]  }
0x4: {  	s2 =	rddreg [dreg:$0x3]  }
0x5: {  	s3 =	rddreg [dreg:$0x4];
	s5 =	simm.s32 $0x0;
	s6 =	srdreg.scid  }
0x6: {  	s12 =	stileid.u32;
	s14 =	simm.s32 $0xE00;
	s15 =	simm.s32 $0x8  }
0x7: {  	s17 =	simm.s32 $0x1;
	s18 =	simm.s32 $0x40;
	s20 =	simm.s32 $0x30E0  }
0x8: {  	s21 =	simm.s32 $0x38E0;
	s28 =	simm.s32 $0x5;
	s29 =	simm.s32 $0x6  }
0x9: {  	s30 =	simm.s32 $0x7;
	s31 =	simm.s32 $0x0;
	[smem:$0x7FF] =	sst s5  }
0xa: {  	s10 =	sand.u32 $0x1, s6;
	s22 =	sshll.u32 s12, $0xA;
	s9 =	smul.u32 $0x380, s12  }
0xb: {  	s6 =	sadd.s32 $0x400, s0;
	s12 =	sshll.u32 s12, $0xE;
	_ =	strace $0x80000047  }
0xc: {  	s7 =	sshll.u32 s10, $0x9;
	s8 =	ssub.s32 $0x2, s10;
	s13 =	sshll.u32 s10, $0xD  }
0xd: {  	s11 =	sor.u32 s7, s22;
	s23 =	sshrl.u32 s8, $0x1;
	s24 =	sshrl.u32 s9, $0x2  }
0xe: {  	s25 =	sadd.s32 s6, s9;
	s22 =	simm.s32 $0x2;
	s7 =	sshrl.u32 s11, $0x3  }
.Ltmp0:
0xf: {  	s0 =	ssub.s32 s8, s23;
	[dreg:$0x7] =	wrdreg s25;
	(pc) =	sbr.rel .LBB2_1-.Ltmp0, $4  }
0x10: {  	s9 =	sadd.s32 s24, s3;
	s26 =	sshll.u32 s11, $0x4;
	s23 =	simm.s32 $0x40E0  }
0x11: {  	s24 =	simm.s32 $0x3;
	s25 =	simm.s32 $0x4;
	s4 =	sadd.s32 s4, s7  }
0x12: {  	v0 =	vlaneseq.u32;
	s11 =	smax.u32 s0, $0x1;
	[dreg:$0x6] =	wrdreg s4;
	s4 =	sadd.s32 s26, s2  }
0x13: {  	v1 =	vimm.s32 $0x7FF;
	v2 =	vimm.s32 $0x0;
	v0 =	vmul.u32 $0x20, v0;
	s26 =	simm.s32 $0x60E0;
	s10 =	sadd.s32 $0x1C00, s4;
	s4 =	sor.u32 s13, s12  }
.LBB2_11:
0x14: {  	_ =	swait.ge [sflag:s28], $0x2000  }
0x15: {  	[sflag:s28] =	ssyncset.done $0x0  }
0x16: {  	s31 =	sadd.s32 $0x1, s31;
	[sflag:s28] =	ssyncadd.s32 $0xFFFFE000  }
0x17: {  	[hbm4b:s10+s5] =	stream.linear.scatter [tilespmem:s26], [sflag:$0x7], $0x2000, $0x38;
	[tilespmem:$0x81C0] =	vst v63  }
0x18: {  	p0 =	sne.s32 s31, s11;
	_ =	swait.ge [sflag:s29], $0x2000  }
.Ltmp1:
0x19: {  	[sflag:s29] =	ssyncset.done $0x0;
	(pc) =	sbr.rel @!p0 .LBB2_12-.Ltmp1, $4  }
0x1a: {  	[sflag:s29] =	ssyncadd.s32 $0xFFFFE000  }
0x1b: {  	_ =	swait.ge [sflag:s30], $0x2000  }
0x1c: {  	[sflag:s30] =	ssyncset.done $0x0  }
0x1d: {  	[sflag:s30] =	ssyncadd.s32 $0xFFFFE000  }
.LBB2_1:
0x1e: {  	s0 =	simm.s32 $0x30  }
0x1f: {  	s12 =	simm.s32 $0x10;
	s13 =	rddreg [dreg:$0x6];
	s3 =	simm.s32 $0x2AE0;
	v3 =	vmov s0  }
0x20: {  	[tilespmem:s3], [sflag:$0x1] =	stream.linear.gather [hbm4b:s13+s5], $0x200, $0x38;
	v4 =	vmov s12;
	v3 =	vshll.u32 v3, $0x5;
	[tilespmem:$0x81C0] =	vst v63  }
0x21: {  	v5 =	vmov s5;
	s16 =	simm.s32 $0x20;
	s19 =	rddreg [dreg:$0x7];
	v4 =	vshll.u32 v4, $0x5;
	v3 =	vor.u32 v0, v3  }
0x22: {  	v6 =	vmov s16;
	v5 =	vshll.u32 v5, $0x5;
	[tilespmem:s14], [sflag:$0x8] =	stream.linear.gather [hbm4b:s19+s5], $0x1C00, $0x38;
	v4 =	vor.u32 v0, v4;
	[tilespmem:$0x81C0] =	vst v63  }
0x23: {  	v6 =	vshll.u32 v6, $0x5;
	v7 =	vor.u32 v0, v5;
	_ =	swait.ge [sflag:s15], $0x1C00  }
0x24: {  	v8 =	vor.u32 v0, v6;
	[sflag:s15] =	ssyncset.done $0x0  }
0x25: {  	[sflag:s15] =	ssyncadd.s32 $0xFFFFE400  }
0x26: {  	v6 =	vld.idx.msk [tilespmem:v3+s14+$0x0], $0xffff  }
0x27: {  	v5 =	vld.idx.msk [tilespmem:v4+s14+$0x0], $0xffff  }
0x28: {  	s13 =	simm.s32 $0x2A20;
	s16 =	simm.s32 $0x40;
	v4 =	vld.idx.msk [tilespmem:v7+s14+$0x0], $0xffff  }
0x29: {  	s0 =	simm.s32 $0xB0;
	s12 =	simm.s32 $0x2AC0;
	s19 =	simm.s32 $0x2A20;
	v3 =	vld.idx.msk [tilespmem:v8+s14+$0x0], $0xffff  }
.LBB2_2:
0x2a: {  	p0 =	slt.u32 s16, $0x80  }
0x2b: {  	[tilespmem:s13+$0x10] =	vst v6;
	s19 =	sadd.s32 $0x40, s19;
	s3 =	smov.u32 s16;
	s16 =	sadd.s32 $0x40, s16  }
0x2c: {  	v6 =	vmov s3;
	s7 =	sadd.s32 $0x10, s3;
	s8 =	sadd.s32 $0x20, s3;
	s3 =	sadd.s32 $0x30, s3;
	[tilespmem:s13+$0xFFFFFFF0] =	vst v5  }
0x2d: {  	v5 =	vmov s7;
	v7 =	vmov s8;
	v8 =	vmov s3;
	[tilespmem:s13+$0xFFFFFFE0] =	vst v4  }
0x2e: {  	v4 =	vshll.u32 v5, $0x5;
	v5 =	vshll.u32 v7, $0x5;
	v7 =	vshll.u32 v8, $0x5;
	[tilespmem:s13+$0x0] =	vst v3;
	s13 =	smov.u32 s19  }
0x2f: {  	v3 =	vor.u32 v0, v4;
	v8 =	vor.u32 v0, v5;
	v4 =	vor.u32 v0, v7  }
0x30: {  	v5 =	vshll.u32 v6, $0x5  }
0x31: {  	v7 =	vor.u32 v0, v5;
	_ =	sdelay $0x2  }
0x32: {  	v6 =	vld.idx.msk [tilespmem:v4+s14+$0x0], $0xffff  }
.Ltmp2:
0x33: {  	v5 =	vld.idx.msk [tilespmem:v3+s14+$0x0], $0xffff;
	(pc) =	sbr.rel @p0 .LBB2_2-.Ltmp2, $2  }
0x34: {  	v4 =	vld.idx.msk [tilespmem:v7+s14+$0x0], $0xffff  }
0x35: {  	v3 =	vld.idx.msk [tilespmem:v8+s14+$0x0], $0xffff;
	_ =	sdelay $0x2  }
0x36: {  	[tilespmem:s13+$0x10] =	vst v6  }
0x37: {  	[tilespmem:s13+$0xFFFFFFF0] =	vst v5  }
0x38: {  	[tilespmem:s13+$0xFFFFFFE0] =	vst v4  }
0x39: {  	[tilespmem:s13+$0x0] =	vst v3  }
.LBB2_4:
0x3a: {  	s0 =	sadd.s32 $0x10, s0  }
0x3b: {  	v3 =	vmov s0  }
0x3c: {  	v3 =	vshll.u32 v3, $0x5  }
0x3d: {  	v3 =	vor.u32 v0, v3;
	_ =	sdelay $0x4  }
0x3e: {  	p0 =	slt.u32 s0, $0xD0;
	v3 =	vld.idx.msk [tilespmem:v3+s14+$0x0], $0xffff  }
.Ltmp3:
0x3f: {  	_ = 	snop;
	(pc) =	sbr.rel @p0 .LBB2_4-.Ltmp3, $2  }
0x40: {  	_ =	sdelay $0x2  }
0x41: {  	[tilespmem:s12+$0x0] =	vst v3;
	s12 =	sadd.s32 $0x10, s12  }
0x42: {  	s0 =	simm.s32 $0x2A00  }
0x43: {  	[spmem:s9] =	stream.linear.scatter [tilespmem:s0], [sflag:$0x8], $0xE0, $0x38;
	[tilespmem:$0x81C0] =	vst v63  }
0x44: {  	_ =	swait.ge [sflag:s15], $0xE0  }
0x45: {  	[sflag:s15] =	ssyncset.done $0x0  }
0x46: {  	[sflag:s15] =	ssyncadd.s32 $0xFFFFFF20  }
0x47: {  	[bflag:$0x0] =	sbarrier.arrive $0xFFFF  }
0x48: {  	s0 =	simm.s32 $0x0;
	s3 =	rddreg [dreg:$0x4]  }
0x49: {  	[tilespmem:s0], [sflag:$0x1] =	stream.linear.gather [spmem:s3], $0xE00, $0x38;
	[tilespmem:$0x81C0] =	vst v63  }
0x4a: {  	_ =	swait.ge [sflag:s17], $0xE00  }
0x4b: {  	[sflag:s17] =	ssyncset.done $0x0  }
0x4c: {  	[sflag:s17] =	ssyncadd.s32 $0xFFFFF200  }
0x4d: {  	_ =	swait.ge [sflag:s17], $0x200  }
0x4e: {  	[sflag:s17] =	ssyncset.done $0x0  }
0x4f: {  	[sflag:s17] =	ssyncadd.s32 $0xFFFFFE00  }
0x50: {  	v6 =	vld [tilespmem:$0x2AE0]  }
0x51: {  	v7 =	vld.idx.msk [tilespmem:v1+s0+$0x0], $0xffff;
	_ =	sdelay $0x1  }
0x52: {  	v5 =	vld [tilespmem:$0x2AF0];
	_ =	sdelay $0x1  }
0x53: {  	v4 =	vld [tilespmem:$0x2B00]  }
0x54: {  	v3 =	vld [tilespmem:$0x2B10];
	vm0 =	vle.f32 v7, v6  }
0x55: {  	v8 =	vsel vm0, $0x800, v2  }
0x56: {  	vm14 =	vle.f32 v7, v5;
	v9 =	vor.u32 $0x3FF, v8  }
0x57: {  	v10 =	vsel vm14, $0x800, v2  }
0x58: {  	vm15 =	vle.f32 v7, v4;
	v11 =	vor.u32 $0x3FF, v10  }
0x59: {  	vm4 =	vle.f32 v7, v3;
	v12 =	vsel vm15, $0x800, v2  }
0x5a: {  	v13 =	vsel vm4, $0x800, v2;
	v30 =	vor.u32 $0x3FF, v12  }
0x5b: {  	v14 =	vor.u32 $0x3FF, v13;
	v29 =	vld.idx.msk [tilespmem:v9+s0+$0x0], $0xffff;
	_ =	sdelay $0x1  }
0x5c: {  	v11 =	vld.idx.msk [tilespmem:v11+s0+$0x0], $0xffff;
	_ =	sdelay $0x1  }
0x5d: {  	v31 =	vld.idx.msk [tilespmem:v30+s0+$0x0], $0xffff  }
0x5e: {  	v15 =	vor.u32 $0x400, v8;
	v32 =	vld.idx.msk [tilespmem:v14+s0+$0x0], $0xffff;
	vm5 =	vle.f32 v29, v6  }
0x5f: {  	v8 =	vsel vm5, v15, v8  }
0x60: {  	v34 =	vor.u32 $0x400, v10;
	vm6 =	vle.f32 v11, v5;
	v33 =	vor.u32 $0x1FF, v8  }
0x61: {  	v10 =	vsel vm6, v34, v10  }
0x62: {  	v36 =	vor.u32 $0x400, v12;
	vm7 =	vle.f32 v31, v4;
	v35 =	vor.u32 $0x1FF, v10  }
0x63: {  	v37 =	vor.u32 $0x400, v13;
	vm8 =	vle.f32 v32, v3;
	v7 =	vsel vm7, v36, v12  }
0x64: {  	v12 =	vsel vm8, v37, v13;
	v39 =	vor.u32 $0x1FF, v7  }
0x65: {  	v13 =	vor.u32 $0x1FF, v12;
	v38 =	vld.idx.msk [tilespmem:v33+s0+$0x0], $0xffff;
	_ =	sdelay $0x1  }
0x66: {  	v11 =	vld.idx.msk [tilespmem:v35+s0+$0x0], $0xffff;
	_ =	sdelay $0x1  }
0x67: {  	v41 =	vld.idx.msk [tilespmem:v39+s0+$0x0], $0xffff  }
0x68: {  	v40 =	vor.u32 $0x200, v8;
	v13 =	vld.idx.msk [tilespmem:v13+s0+$0x0], $0xffff;
	vm9 =	vle.f32 v38, v6  }
0x69: {  	v16 =	vor.u32 $0x200, v10;
	v8 =	vsel vm9, v40, v8  }
0x6a: {  	v46 =	vor.u32 $0x200, v7;
	vm10 =	vle.f32 v11, v5;
	v42 =	vor.u32 $0x100, v8  }
0x6b: {  	v47 =	vor.u32 $0x200, v12;
	v10 =	vsel vm10, v16, v10;
	v43 =	vmin.u32 v42, $0xE00  }
0x6c: {  	vm11 =	vle.f32 v41, v4;
	v45 =	vor.u32 $0x100, v10;
	v44 =	vadd.s32 $0xFFFFFFFF, v43  }
0x6d: {  	vm12 =	vle.f32 v13, v3;
	v7 =	vsel vm11, v46, v7;
	v48 =	vmin.u32 v45, $0xE00  }
0x6e: {  	v9 =	vsel vm12, v47, v12;
	v16 =	vor.u32 $0x100, v7;
	v49 =	vadd.s32 $0xFFFFFFFF, v48  }
0x6f: {  	v17 =	vor.u32 $0x100, v9;
	v50 =	vmin.u32 v16, $0xE00  }
0x70: {  	v18 =	vmin.u32 v17, $0xE00;
	v13 =	vadd.s32 $0xFFFFFFFF, v50  }
0x71: {  	v18 =	vadd.s32 $0xFFFFFFFF, v18;
	v11 =	vld.idx.msk [tilespmem:v44+s0+$0x0], $0xffff;
	_ =	sdelay $0x1  }
0x72: {  	v12 =	vld.idx.msk [tilespmem:v49+s0+$0x0], $0xffff;
	_ =	sdelay $0x1  }
0x73: {  	v51 =	vld.idx.msk [tilespmem:v13+s0+$0x0], $0xffff  }
0x74: {  	v52 =	vld.idx.msk [tilespmem:v18+s0+$0x0], $0xffff;
	vm13 =	vle.f32 v11, v6  }
0x75: {  	v8 =	vsel vm13, v42, v8  }
0x76: {  	vm14 =	vle.f32 v12, v5;
	v14 =	vadd.s32 $0x80, v8  }
0x77: {  	v10 =	vsel vm14, v45, v10;
	v53 =	vmin.u32 v14, $0xE00  }
0x78: {  	vm15 =	vle.f32 v51, v4;
	v54 =	vadd.s32 $0x80, v10;
	v18 =	vadd.s32 $0xFFFFFFFF, v53  }
0x79: {  	vm4 =	vle.f32 v52, v3;
	v7 =	vsel vm15, v16, v7;
	v55 =	vmin.u32 v54, $0xE00  }
0x7a: {  	v9 =	vsel vm4, v17, v9;
	v56 =	vadd.s32 $0x80, v7;
	v12 =	vadd.s32 $0xFFFFFFFF, v55  }
0x7b: {  	v58 =	vadd.s32 $0x80, v9;
	v57 =	vmin.u32 v56, $0xE00  }
0x7c: {  	v60 =	vmin.u32 v58, $0xE00;
	v15 =	vadd.s32 $0xFFFFFFFF, v57  }
0x7d: {  	v59 =	vld.idx.msk [tilespmem:v18+s0+$0x0], $0xffff;
	v18 =	vadd.s32 $0xFFFFFFFF, v60;
	_ =	sdelay $0x1  }
0x7e: {  	v12 =	vld.idx.msk [tilespmem:v12+s0+$0x0], $0xffff;
	_ =	sdelay $0x1  }
0x7f: {  	v15 =	vld.idx.msk [tilespmem:v15+s0+$0x0], $0xffff  }
0x80: {  	vm5 =	vle.f32 v59, v6;
	v61 =	vld.idx.msk [tilespmem:v18+s0+$0x0], $0xffff  }
0x81: {  	v8 =	vsel vm5, v14, v8  }
0x82: {  	vm6 =	vle.f32 v12, v5;
	v62 =	vadd.s32 $0x40, v8  }
0x83: {  	v10 =	vsel vm6, v54, v10;
	v63 =	vmin.u32 v62, $0xE00  }
0x84: {  	vm7 =	vle.f32 v15, v4;
	v11 =	vadd.s32 $0x40, v10;
	v18 =	vadd.s32 $0xFFFFFFFF, v63  }
0x85: {  	v7 =	vsel vm7, v56, v7;
	v19 =	vmin.u32 v11, $0xE00;
	vm8 =	vle.f32 v61, v3  }
0x86: {  	v13 =	vadd.s32 $0x40, v7;
	v12 =	vadd.s32 $0xFFFFFFFF, v19;
	v9 =	vsel vm8, v58, v9  }
0x87: {  	v20 =	vmin.u32 v13, $0xE00;
	v21 =	vadd.s32 $0x40, v9  }
0x88: {  	v14 =	vadd.s32 $0xFFFFFFFF, v20;
	v23 =	vmin.u32 v21, $0xE00  }
0x89: {  	v22 =	vld.idx.msk [tilespmem:v18+s0+$0x0], $0xffff;
	v18 =	vadd.s32 $0xFFFFFFFF, v23;
	_ =	sdelay $0x1  }
0x8a: {  	v12 =	vld.idx.msk [tilespmem:v12+s0+$0x0], $0xffff;
	_ =	sdelay $0x1  }
0x8b: {  	v14 =	vld.idx.msk [tilespmem:v14+s0+$0x0], $0xffff  }
0x8c: {  	vm9 =	vle.f32 v22, v6;
	v24 =	vld.idx.msk [tilespmem:v18+s0+$0x0], $0xffff  }
0x8d: {  	v8 =	vsel vm9, v62, v8  }
0x8e: {  	vm10 =	vle.f32 v12, v5;
	v17 =	vadd.s32 $0x20, v8  }
0x8f: {  	v10 =	vsel vm10, v11, v10;
	v25 =	vmin.u32 v17, $0xE00  }
0x90: {  	vm11 =	vle.f32 v14, v4;
	v11 =	vadd.s32 $0x20, v10;
	v18 =	vadd.s32 $0xFFFFFFFF, v25  }
0x91: {  	v7 =	vsel vm11, v13, v7;
	v26 =	vmin.u32 v11, $0xE00;
	vm12 =	vle.f32 v24, v3  }
0x92: {  	v13 =	vadd.s32 $0x20, v7;
	v12 =	vadd.s32 $0xFFFFFFFF, v26;
	v9 =	vsel vm12, v21, v9  }
0x93: {  	v27 =	vmin.u32 v13, $0xE00;
	v15 =	vadd.s32 $0x20, v9  }
0x94: {  	v14 =	vadd.s32 $0xFFFFFFFF, v27;
	v29 =	vmin.u32 v15, $0xE00  }
0x95: {  	v28 =	vld.idx.msk [tilespmem:v18+s0+$0x0], $0xffff;
	v18 =	vadd.s32 $0xFFFFFFFF, v29;
	_ =	sdelay $0x1  }
0x96: {  	v12 =	vld.idx.msk [tilespmem:v12+s0+$0x0], $0xffff;
	_ =	sdelay $0x1  }
0x97: {  	v14 =	vld.idx.msk [tilespmem:v14+s0+$0x0], $0xffff  }
0x98: {  	vm13 =	vle.f32 v28, v6;
	v30 =	vld.idx.msk [tilespmem:v18+s0+$0x0], $0xffff  }
0x99: {  	v8 =	vsel vm13, v17, v8  }
0x9a: {  	vm14 =	vle.f32 v12, v5;
	v17 =	vadd.s32 $0x10, v8  }
0x9b: {  	v10 =	vsel vm14, v11, v10;
	v31 =	vmin.u32 v17, $0xE00  }
0x9c: {  	vm15 =	vle.f32 v14, v4;
	v11 =	vadd.s32 $0x10, v10;
	v18 =	vadd.s32 $0xFFFFFFFF, v31  }
0x9d: {  	v7 =	vsel vm15, v13, v7;
	v32 =	vmin.u32 v11, $0xE00;
	vm4 =	vle.f32 v30, v3  }
0x9e: {  	v13 =	vadd.s32 $0x10, v7;
	v12 =	vadd.s32 $0xFFFFFFFF, v32;
	v9 =	vsel vm4, v15, v9  }
0x9f: {  	v33 =	vmin.u32 v13, $0xE00;
	v15 =	vadd.s32 $0x10, v9  }
0xa0: {  	v14 =	vadd.s32 $0xFFFFFFFF, v33;
	v35 =	vmin.u32 v15, $0xE00  }
0xa1: {  	v34 =	vld.idx.msk [tilespmem:v18+s0+$0x0], $0xffff;
	v18 =	vadd.s32 $0xFFFFFFFF, v35;
	_ =	sdelay $0x1  }
0xa2: {  	v12 =	vld.idx.msk [tilespmem:v12+s0+$0x0], $0xffff;
	_ =	sdelay $0x1  }
0xa3: {  	v14 =	vld.idx.msk [tilespmem:v14+s0+$0x0], $0xffff  }
0xa4: {  	vm5 =	vle.f32 v34, v6;
	v36 =	vld.idx.msk [tilespmem:v18+s0+$0x0], $0xffff  }
0xa5: {  	v8 =	vsel vm5, v17, v8  }
0xa6: {  	vm6 =	vle.f32 v12, v5;
	v17 =	vadd.s32 $0x8, v8  }
0xa7: {  	v10 =	vsel vm6, v11, v10;
	v37 =	vmin.u32 v17, $0xE00  }
0xa8: {  	vm7 =	vle.f32 v14, v4;
	v11 =	vadd.s32 $0x8, v10;
	v18 =	vadd.s32 $0xFFFFFFFF, v37  }
0xa9: {  	v7 =	vsel vm7, v13, v7;
	v38 =	vmin.u32 v11, $0xE00;
	vm8 =	vle.f32 v36, v3  }
0xaa: {  	v13 =	vadd.s32 $0x8, v7;
	v12 =	vadd.s32 $0xFFFFFFFF, v38;
	v9 =	vsel vm8, v15, v9  }
0xab: {  	v39 =	vmin.u32 v13, $0xE00;
	v15 =	vadd.s32 $0x8, v9  }
0xac: {  	v14 =	vadd.s32 $0xFFFFFFFF, v39;
	v41 =	vmin.u32 v15, $0xE00  }
0xad: {  	v40 =	vld.idx.msk [tilespmem:v18+s0+$0x0], $0xffff;
	v18 =	vadd.s32 $0xFFFFFFFF, v41;
	_ =	sdelay $0x1  }
0xae: {  	v12 =	vld.idx.msk [tilespmem:v12+s0+$0x0], $0xffff;
	_ =	sdelay $0x1  }
0xaf: {  	v14 =	vld.idx.msk [tilespmem:v14+s0+$0x0], $0xffff  }
0xb0: {  	vm9 =	vle.f32 v40, v6;
	v42 =	vld.idx.msk [tilespmem:v18+s0+$0x0], $0xffff  }
0xb1: {  	v8 =	vsel vm9, v17, v8  }
0xb2: {  	vm10 =	vle.f32 v12, v5;
	v17 =	vadd.s32 $0x4, v8  }
0xb3: {  	v10 =	vsel vm10, v11, v10;
	v43 =	vmin.u32 v17, $0xE00  }
0xb4: {  	vm11 =	vle.f32 v14, v4;
	v11 =	vadd.s32 $0x4, v10;
	v18 =	vadd.s32 $0xFFFFFFFF, v43  }
0xb5: {  	v7 =	vsel vm11, v13, v7;
	v44 =	vmin.u32 v11, $0xE00;
	vm12 =	vle.f32 v42, v3  }
0xb6: {  	v13 =	vadd.s32 $0x4, v7;
	v12 =	vadd.s32 $0xFFFFFFFF, v44;
	v9 =	vsel vm12, v15, v9  }
0xb7: {  	v45 =	vmin.u32 v13, $0xE00;
	v15 =	vadd.s32 $0x4, v9  }
0xb8: {  	v14 =	vadd.s32 $0xFFFFFFFF, v45;
	v47 =	vmin.u32 v15, $0xE00  }
0xb9: {  	v46 =	vld.idx.msk [tilespmem:v18+s0+$0x0], $0xffff;
	v18 =	vadd.s32 $0xFFFFFFFF, v47;
	_ =	sdelay $0x1  }
0xba: {  	v12 =	vld.idx.msk [tilespmem:v12+s0+$0x0], $0xffff;
	_ =	sdelay $0x1  }
0xbb: {  	v14 =	vld.idx.msk [tilespmem:v14+s0+$0x0], $0xffff  }
0xbc: {  	vm13 =	vle.f32 v46, v6;
	v48 =	vld.idx.msk [tilespmem:v18+s0+$0x0], $0xffff  }
0xbd: {  	v8 =	vsel vm13, v17, v8  }
0xbe: {  	vm14 =	vle.f32 v12, v5;
	v17 =	vadd.s32 $0x2, v8  }
0xbf: {  	v10 =	vsel vm14, v11, v10;
	v49 =	vmin.u32 v17, $0xE00  }
0xc0: {  	vm15 =	vle.f32 v14, v4;
	v11 =	vadd.s32 $0x2, v10;
	v18 =	vadd.s32 $0xFFFFFFFF, v49  }
0xc1: {  	v7 =	vsel vm15, v13, v7;
	v50 =	vmin.u32 v11, $0xE00;
	vm4 =	vle.f32 v48, v3  }
0xc2: {  	v13 =	vadd.s32 $0x2, v7;
	v12 =	vadd.s32 $0xFFFFFFFF, v50;
	v9 =	vsel vm4, v15, v9  }
0xc3: {  	v51 =	vmin.u32 v13, $0xE00;
	v15 =	vadd.s32 $0x2, v9  }
0xc4: {  	v14 =	vadd.s32 $0xFFFFFFFF, v51;
	v53 =	vmin.u32 v15, $0xE00  }
0xc5: {  	v52 =	vld.idx.msk [tilespmem:v18+s0+$0x0], $0xffff;
	v18 =	vadd.s32 $0xFFFFFFFF, v53;
	_ =	sdelay $0x1  }
0xc6: {  	v12 =	vld.idx.msk [tilespmem:v12+s0+$0x0], $0xffff;
	_ =	sdelay $0x1  }
0xc7: {  	v14 =	vld.idx.msk [tilespmem:v14+s0+$0x0], $0xffff  }
0xc8: {  	vm5 =	vle.f32 v52, v6;
	v54 =	vld.idx.msk [tilespmem:v18+s0+$0x0], $0xffff  }
0xc9: {  	v8 =	vsel vm5, v17, v8  }
0xca: {  	vm6 =	vle.f32 v12, v5;
	v17 =	vmin.u32 v8, $0xDFF  }
0xcb: {  	v10 =	vsel vm6, v11, v10  }
0xcc: {  	vm7 =	vle.f32 v14, v4;
	v11 =	vmin.u32 v10, $0xDFF  }
0xcd: {  	v7 =	vsel vm7, v13, v7;
	vm8 =	vle.f32 v54, v3  }
0xce: {  	v13 =	vmin.u32 v7, $0xDFF;
	v9 =	vsel vm8, v15, v9  }
0xcf: {  	v55 =	vld.idx.msk [tilespmem:v17+s0+$0x0], $0xffff;
	v56 =	vmin.u32 v9, $0xDFF;
	_ =	sdelay $0x1  }
0xd0: {  	v11 =	vld.idx.msk [tilespmem:v11+s0+$0x0], $0xffff;
	_ =	sdelay $0x1  }
0xd1: {  	v57 =	vld.idx.msk [tilespmem:v13+s0+$0x0], $0xffff  }
0xd2: {  	vm9 =	vle.f32 v55, v6;
	v58 =	vld.idx.msk [tilespmem:v56+s0+$0x0], $0xffff  }
0xd3: {  	vm0 =	vmneg vm9  }
0xd4: {  	vm10 =	vle.f32 v11, v5;
	v59 =	vsel vm0, $0xFFFFFFFF, v2  }
0xd5: {  	vm0 =	vmneg vm10;
	v8 =	vadd.s32 v59, v8  }
0xd6: {  	vm11 =	vle.f32 v57, v4;
	v61 =	vsel vm0, $0xFFFFFFFF, v2;
	vm1 =	vgt.s32 v8, $0x0  }
0xd7: {  	v60 =	vnsel vm1, $0x0, v8;
	vm12 =	vle.f32 v58, v3;
	vm1 =	vmneg vm11  }
0xd8: {  	v4 =	vadd.s32 v61, v10;
	v3 =	vsel vm1, $0xFFFFFFFF, v2;
	vm0 =	vmneg vm12  }
0xd9: {  	vm13 =	vgt.s32 v4, $0x0;
	v3 =	vadd.s32 v3, v7;
	v62 =	vsel vm0, $0xFFFFFFFF, v2  }
.Ltmp4:
0xda: {  	[tilespmem:$0x2CE0] =	vst v60;
	v4 =	vnsel vm13, $0x0, v4;
	vm14 =	vgt.s32 v3, $0x0;
	v63 =	vadd.s32 v62, v9;
	(pc) =	sbr.rel .LBB2_6-.Ltmp4, $4  }
0xdb: {  	[tilespmem:$0x2CF0] =	vst v4;
	v3 =	vnsel vm14, $0x0, v3;
	vm15 =	vgt.s32 v63, $0x0  }
0xdc: {  	[tilespmem:$0x2D00] =	vst v3;
	v3 =	vnsel vm15, $0x0, v63  }
0xdd: {  	s19 =	simm.s32 $0x2CE0;
	s12 =	smov.u32 s4;
	[tilespmem:$0x2D10] =	vst v3  }
0xde: {  	[tilespmem:s20], [sflag:$0x2] =	stream.indirect.gather [hbm4b:s6+s18], $0x20, s19, s18, $0xb8;
	[tilespmem:$0x81C0] =	vst v63  }
.LBB2_7:
0xdf: {  	[tilespmem:s23], [sflag:$0x4] =	stream.indirect.gather [hbm4b:s1+s18], $0x80, s16, s18, $0xb8;
	[tilespmem:$0x81C0] =	vst v63  }
.LBB2_9:
0xe0: {  	_ =	sdelay $0x2  }
0xe1: {  	v14 =	vld [tilespmem:s13+$0x2B60]  }
0xe2: {  	v15 =	vld.idx.msk [tilespmem:v1+s5+$0x0], $0xffff;
	_ =	sdelay $0x1  }
0xe3: {  	v13 =	vld [tilespmem:s13+$0x2B70];
	_ =	sdelay $0x1  }
0xe4: {  	v12 =	vld [tilespmem:s13+$0x2B80]  }
0xe5: {  	v11 =	vld [tilespmem:s13+$0x2B90];
	vm0 =	vle.f32 v15, v14  }
0xe6: {  	v16 =	vsel vm0, $0x800, v2  }
0xe7: {  	vm14 =	vle.f32 v15, v13;
	v17 =	vor.u32 $0x3FF, v16  }
0xe8: {  	v18 =	vsel vm14, $0x800, v2  }
0xe9: {  	vm15 =	vle.f32 v15, v12;
	v19 =	vor.u32 $0x3FF, v18  }
0xea: {  	vm4 =	vle.f32 v15, v11;
	v20 =	vsel vm15, $0x800, v2  }
0xeb: {  	v21 =	vsel vm4, $0x800, v2;
	v61 =	vor.u32 $0x3FF, v20  }
0xec: {  	v22 =	vor.u32 $0x3FF, v21;
	v60 =	vld.idx.msk [tilespmem:v17+s5+$0x0], $0xffff;
	_ =	sdelay $0x1  }
0xed: {  	v19 =	vld.idx.msk [tilespmem:v19+s5+$0x0], $0xffff;
	_ =	sdelay $0x1  }
0xee: {  	v62 =	vld.idx.msk [tilespmem:v61+s5+$0x0], $0xffff  }
0xef: {  	v23 =	vor.u32 $0x400, v16;
	v63 =	vld.idx.msk [tilespmem:v22+s5+$0x0], $0xffff;
	vm5 =	vle.f32 v60, v14  }
0xf0: {  	v16 =	vsel vm5, v23, v16  }
0xf1: {  	v25 =	vor.u32 $0x400, v18;
	vm6 =	vle.f32 v19, v13;
	v24 =	vor.u32 $0x1FF, v16  }
0xf2: {  	v18 =	vsel vm6, v25, v18  }
0xf3: {  	v27 =	vor.u32 $0x400, v20;
	vm7 =	vle.f32 v62, v12;
	v26 =	vor.u32 $0x1FF, v18  }
0xf4: {  	v28 =	vor.u32 $0x400, v21;
	vm8 =	vle.f32 v63, v11;
	v15 =	vsel vm7, v27, v20  }
0xf5: {  	v20 =	vsel vm8, v28, v21;
	v30 =	vor.u32 $0x1FF, v15  }
0xf6: {  	v21 =	vor.u32 $0x1FF, v20;
	v29 =	vld.idx.msk [tilespmem:v24+s5+$0x0], $0xffff;
	_ =	sdelay $0x1  }
0xf7: {  	v19 =	vld.idx.msk [tilespmem:v26+s5+$0x0], $0xffff;
	_ =	sdelay $0x1  }
0xf8: {  	v32 =	vld.idx.msk [tilespmem:v30+s5+$0x0], $0xffff  }
0xf9: {  	v31 =	vor.u32 $0x200, v16;
	v21 =	vld.idx.msk [tilespmem:v21+s5+$0x0], $0xffff;
	vm9 =	vle.f32 v29, v14  }
0xfa: {  	v37 =	vor.u32 $0x200, v15;
	v16 =	vsel vm9, v31, v16  }
0xfb: {  	v24 =	vor.u32 $0x200, v18;
	vm10 =	vle.f32 v19, v13;
	v33 =	vor.u32 $0x100, v16  }
0xfc: {  	v38 =	vor.u32 $0x200, v20;
	v18 =	vsel vm10, v24, v18;
	v34 =	vmin.u32 v33, $0xE00  }
0xfd: {  	vm11 =	vle.f32 v32, v12;
	v36 =	vor.u32 $0x100, v18;
	v35 =	vadd.s32 $0xFFFFFFFF, v34  }
0xfe: {  	vm12 =	vle.f32 v21, v11;
	v15 =	vsel vm11, v37, v15;
	v39 =	vmin.u32 v36, $0xE00  }
0xff: {  	v17 =	vsel vm12, v38, v20;
	v24 =	vor.u32 $0x100, v15;
	v40 =	vadd.s32 $0xFFFFFFFF, v39  }
0x100: {  	v25 =	vor.u32 $0x100, v17;
	v41 =	vmin.u32 v24, $0xE00  }
0x101: {  	v26 =	vmin.u32 v25, $0xE00;
	v21 =	vadd.s32 $0xFFFFFFFF, v41  }
0x102: {  	v26 =	vadd.s32 $0xFFFFFFFF, v26;
	v19 =	vld.idx.msk [tilespmem:v35+s5+$0x0], $0xffff;
	_ =	sdelay $0x1  }
0x103: {  	v20 =	vld.idx.msk [tilespmem:v40+s5+$0x0], $0xffff;
	_ =	sdelay $0x1  }
0x104: {  	v42 =	vld.idx.msk [tilespmem:v21+s5+$0x0], $0xffff  }
0x105: {  	v43 =	vld.idx.msk [tilespmem:v26+s5+$0x0], $0xffff;
	vm13 =	vle.f32 v19, v14  }
0x106: {  	v16 =	vsel vm13, v33, v16  }
0x107: {  	vm14 =	vle.f32 v20, v13;
	v22 =	vadd.s32 $0x80, v16  }
0x108: {  	v18 =	vsel vm14, v36, v18;
	v44 =	vmin.u32 v22, $0xE00  }
0x109: {  	vm15 =	vle.f32 v42, v12;
	v45 =	vadd.s32 $0x80, v18;
	v26 =	vadd.s32 $0xFFFFFFFF, v44  }
0x10a: {  	vm4 =	vle.f32 v43, v11;
	v15 =	vsel vm15, v24, v15;
	v46 =	vmin.u32 v45, $0xE00  }
0x10b: {  	v17 =	vsel vm4, v25, v17;
	v47 =	vadd.s32 $0x80, v15;
	v20 =	vadd.s32 $0xFFFFFFFF, v46  }
0x10c: {  	v49 =	vadd.s32 $0x80, v17;
	v48 =	vmin.u32 v47, $0xE00  }
0x10d: {  	v51 =	vmin.u32 v49, $0xE00;
	v23 =	vadd.s32 $0xFFFFFFFF, v48  }
0x10e: {  	v50 =	vld.idx.msk [tilespmem:v26+s5+$0x0], $0xffff;
	v26 =	vadd.s32 $0xFFFFFFFF, v51;
	_ =	sdelay $0x1  }
0x10f: {  	v20 =	vld.idx.msk [tilespmem:v20+s5+$0x0], $0xffff;
	_ =	sdelay $0x1  }
0x110: {  	v23 =	vld.idx.msk [tilespmem:v23+s5+$0x0], $0xffff  }
0x111: {  	vm5 =	vle.f32 v50, v14;
	v52 =	vld.idx.msk [tilespmem:v26+s5+$0x0], $0xffff  }
0x112: {  	v16 =	vsel vm5, v22, v16  }
0x113: {  	vm6 =	vle.f32 v20, v13;
	v53 =	vadd.s32 $0x40, v16  }
0x114: {  	v18 =	vsel vm6, v45, v18;
	v54 =	vmin.u32 v53, $0xE00  }
0x115: {  	vm7 =	vle.f32 v23, v12;
	v19 =	vadd.s32 $0x40, v18;
	v26 =	vadd.s32 $0xFFFFFFFF, v54  }
0x116: {  	v15 =	vsel vm7, v47, v15;
	v55 =	vmin.u32 v19, $0xE00;
	vm8 =	vle.f32 v52, v11  }
0x117: {  	v21 =	vadd.s32 $0x40, v15;
	v20 =	vadd.s32 $0xFFFFFFFF, v55;
	v17 =	vsel vm8, v49, v17  }
0x118: {  	v56 =	vmin.u32 v21, $0xE00;
	v57 =	vadd.s32 $0x40, v17  }
0x119: {  	v22 =	vadd.s32 $0xFFFFFFFF, v56;
	v59 =	vmin.u32 v57, $0xE00  }
0x11a: {  	v58 =	vld.idx.msk [tilespmem:v26+s5+$0x0], $0xffff;
	v26 =	vadd.s32 $0xFFFFFFFF, v59;
	_ =	sdelay $0x1  }
0x11b: {  	v20 =	vld.idx.msk [tilespmem:v20+s5+$0x0], $0xffff;
	_ =	sdelay $0x1  }
0x11c: {  	v22 =	vld.idx.msk [tilespmem:v22+s5+$0x0], $0xffff  }
0x11d: {  	vm9 =	vle.f32 v58, v14;
	v60 =	vld.idx.msk [tilespmem:v26+s5+$0x0], $0xffff  }
0x11e: {  	v16 =	vsel vm9, v53, v16  }
0x11f: {  	vm10 =	vle.f32 v20, v13;
	v25 =	vadd.s32 $0x20, v16  }
0x120: {  	v18 =	vsel vm10, v19, v18;
	v61 =	vmin.u32 v25, $0xE00  }
0x121: {  	vm11 =	vle.f32 v22, v12;
	v19 =	vadd.s32 $0x20, v18;
	v26 =	vadd.s32 $0xFFFFFFFF, v61  }
0x122: {  	v15 =	vsel vm11, v21, v15;
	v62 =	vmin.u32 v19, $0xE00;
	vm12 =	vle.f32 v60, v11  }
0x123: {  	v21 =	vadd.s32 $0x20, v15;
	v20 =	vadd.s32 $0xFFFFFFFF, v62;
	v17 =	vsel vm12, v57, v17  }
0x124: {  	v63 =	vmin.u32 v21, $0xE00;
	v23 =	vadd.s32 $0x20, v17  }
0x125: {  	v22 =	vadd.s32 $0xFFFFFFFF, v63;
	v29 =	vmin.u32 v23, $0xE00  }
0x126: {  	v28 =	vld.idx.msk [tilespmem:v26+s5+$0x0], $0xffff;
	v26 =	vadd.s32 $0xFFFFFFFF, v29;
	_ =	sdelay $0x1  }
0x127: {  	v20 =	vld.idx.msk [tilespmem:v20+s5+$0x0], $0xffff;
	_ =	sdelay $0x1  }
0x128: {  	v22 =	vld.idx.msk [tilespmem:v22+s5+$0x0], $0xffff  }
0x129: {  	vm13 =	vle.f32 v28, v14;
	v30 =	vld.idx.msk [tilespmem:v26+s5+$0x0], $0xffff  }
0x12a: {  	v16 =	vsel vm13, v25, v16  }
0x12b: {  	vm14 =	vle.f32 v20, v13;
	v25 =	vadd.s32 $0x10, v16  }
0x12c: {  	v18 =	vsel vm14, v19, v18;
	v31 =	vmin.u32 v25, $0xE00  }
0x12d: {  	vm15 =	vle.f32 v22, v12;
	v19 =	vadd.s32 $0x10, v18;
	v26 =	vadd.s32 $0xFFFFFFFF, v31  }
0x12e: {  	v15 =	vsel vm15, v21, v15;
	v32 =	vmin.u32 v19, $0xE00;
	vm4 =	vle.f32 v30, v11  }
0x12f: {  	v21 =	vadd.s32 $0x10, v15;
	v20 =	vadd.s32 $0xFFFFFFFF, v32;
	v17 =	vsel vm4, v23, v17  }
0x130: {  	v33 =	vmin.u32 v21, $0xE00;
	v23 =	vadd.s32 $0x10, v17  }
0x131: {  	v22 =	vadd.s32 $0xFFFFFFFF, v33;
	v35 =	vmin.u32 v23, $0xE00  }
0x132: {  	v34 =	vld.idx.msk [tilespmem:v26+s5+$0x0], $0xffff;
	v26 =	vadd.s32 $0xFFFFFFFF, v35;
	_ =	sdelay $0x1  }
0x133: {  	v20 =	vld.idx.msk [tilespmem:v20+s5+$0x0], $0xffff;
	_ =	sdelay $0x1  }
0x134: {  	v22 =	vld.idx.msk [tilespmem:v22+s5+$0x0], $0xffff  }
0x135: {  	vm5 =	vle.f32 v34, v14;
	v36 =	vld.idx.msk [tilespmem:v26+s5+$0x0], $0xffff  }
0x136: {  	v16 =	vsel vm5, v25, v16  }
0x137: {  	vm6 =	vle.f32 v20, v13;
	v25 =	vadd.s32 $0x8, v16  }
0x138: {  	v18 =	vsel vm6, v19, v18;
	v37 =	vmin.u32 v25, $0xE00  }
0x139: {  	vm7 =	vle.f32 v22, v12;
	v19 =	vadd.s32 $0x8, v18;
	v26 =	vadd.s32 $0xFFFFFFFF, v37  }
0x13a: {  	v15 =	vsel vm7, v21, v15;
	v38 =	vmin.u32 v19, $0xE00;
	vm8 =	vle.f32 v36, v11  }
0x13b: {  	v21 =	vadd.s32 $0x8, v15;
	v20 =	vadd.s32 $0xFFFFFFFF, v38;
	v17 =	vsel vm8, v23, v17  }
0x13c: {  	v39 =	vmin.u32 v21, $0xE00;
	v23 =	vadd.s32 $0x8, v17  }
0x13d: {  	v22 =	vadd.s32 $0xFFFFFFFF, v39;
	v41 =	vmin.u32 v23, $0xE00  }
0x13e: {  	v40 =	vld.idx.msk [tilespmem:v26+s5+$0x0], $0xffff;
	v26 =	vadd.s32 $0xFFFFFFFF, v41;
	_ =	sdelay $0x1  }
0x13f: {  	v20 =	vld.idx.msk [tilespmem:v20+s5+$0x0], $0xffff;
	_ =	sdelay $0x1  }
0x140: {  	v22 =	vld.idx.msk [tilespmem:v22+s5+$0x0], $0xffff  }
0x141: {  	vm9 =	vle.f32 v40, v14;
	v42 =	vld.idx.msk [tilespmem:v26+s5+$0x0], $0xffff  }
0x142: {  	v16 =	vsel vm9, v25, v16  }
0x143: {  	vm10 =	vle.f32 v20, v13;
	v25 =	vadd.s32 $0x4, v16  }
0x144: {  	v18 =	vsel vm10, v19, v18;
	v43 =	vmin.u32 v25, $0xE00  }
0x145: {  	vm11 =	vle.f32 v22, v12;
	v19 =	vadd.s32 $0x4, v18;
	v26 =	vadd.s32 $0xFFFFFFFF, v43  }
0x146: {  	v15 =	vsel vm11, v21, v15;
	v44 =	vmin.u32 v19, $0xE00;
	vm12 =	vle.f32 v42, v11  }
0x147: {  	v21 =	vadd.s32 $0x4, v15;
	v20 =	vadd.s32 $0xFFFFFFFF, v44;
	v17 =	vsel vm12, v23, v17  }
0x148: {  	v45 =	vmin.u32 v21, $0xE00;
	v23 =	vadd.s32 $0x4, v17  }
0x149: {  	v22 =	vadd.s32 $0xFFFFFFFF, v45;
	v47 =	vmin.u32 v23, $0xE00  }
0x14a: {  	v46 =	vld.idx.msk [tilespmem:v26+s5+$0x0], $0xffff;
	v26 =	vadd.s32 $0xFFFFFFFF, v47;
	_ =	sdelay $0x1  }
0x14b: {  	v20 =	vld.idx.msk [tilespmem:v20+s5+$0x0], $0xffff;
	_ =	sdelay $0x1  }
0x14c: {  	v22 =	vld.idx.msk [tilespmem:v22+s5+$0x0], $0xffff  }
0x14d: {  	vm13 =	vle.f32 v46, v14;
	v48 =	vld.idx.msk [tilespmem:v26+s5+$0x0], $0xffff  }
0x14e: {  	v16 =	vsel vm13, v25, v16  }
0x14f: {  	vm14 =	vle.f32 v20, v13;
	v25 =	vadd.s32 $0x2, v16  }
0x150: {  	v18 =	vsel vm14, v19, v18;
	v49 =	vmin.u32 v25, $0xE00  }
0x151: {  	vm15 =	vle.f32 v22, v12;
	v19 =	vadd.s32 $0x2, v18;
	v26 =	vadd.s32 $0xFFFFFFFF, v49  }
0x152: {  	v15 =	vsel vm15, v21, v15;
	v50 =	vmin.u32 v19, $0xE00;
	vm4 =	vle.f32 v48, v11  }
0x153: {  	v21 =	vadd.s32 $0x2, v15;
	v20 =	vadd.s32 $0xFFFFFFFF, v50;
	v17 =	vsel vm4, v23, v17  }
0x154: {  	v51 =	vmin.u32 v21, $0xE00;
	v23 =	vadd.s32 $0x2, v17  }
0x155: {  	v22 =	vadd.s32 $0xFFFFFFFF, v51;
	v53 =	vmin.u32 v23, $0xE00  }
0x156: {  	v52 =	vld.idx.msk [tilespmem:v26+s5+$0x0], $0xffff;
	v26 =	vadd.s32 $0xFFFFFFFF, v53;
	_ =	sdelay $0x1  }
0x157: {  	v20 =	vld.idx.msk [tilespmem:v20+s5+$0x0], $0xffff;
	_ =	sdelay $0x1  }
0x158: {  	v22 =	vld.idx.msk [tilespmem:v22+s5+$0x0], $0xffff  }
0x159: {  	vm5 =	vle.f32 v52, v14;
	v54 =	vld.idx.msk [tilespmem:v26+s5+$0x0], $0xffff  }
0x15a: {  	v16 =	vsel vm5, v25, v16  }
0x15b: {  	vm6 =	vle.f32 v20, v13;
	v25 =	vmin.u32 v16, $0xDFF  }
0x15c: {  	v18 =	vsel vm6, v19, v18  }
0x15d: {  	vm7 =	vle.f32 v22, v12;
	v19 =	vmin.u32 v18, $0xDFF  }
0x15e: {  	v15 =	vsel vm7, v21, v15;
	vm8 =	vle.f32 v54, v11  }
0x15f: {  	v21 =	vmin.u32 v15, $0xDFF;
	v17 =	vsel vm8, v23, v17  }
0x160: {  	v55 =	vld.idx.msk [tilespmem:v25+s5+$0x0], $0xffff;
	v56 =	vmin.u32 v17, $0xDFF;
	_ =	sdelay $0x1  }
0x161: {  	v19 =	vld.idx.msk [tilespmem:v19+s5+$0x0], $0xffff;
	_ =	sdelay $0x1  }
0x162: {  	v57 =	vld.idx.msk [tilespmem:v21+s5+$0x0], $0xffff  }
0x163: {  	vm9 =	vle.f32 v55, v14;
	v58 =	vld.idx.msk [tilespmem:v56+s5+$0x0], $0xffff  }
0x164: {  	vm0 =	vmneg vm9  }
0x165: {  	vm10 =	vle.f32 v19, v13;
	v59 =	vsel vm0, $0xFFFFFFFF, v2  }
0x166: {  	vm0 =	vmneg vm10;
	v16 =	vadd.s32 v59, v16  }
0x167: {  	vm11 =	vle.f32 v57, v12;
	v61 =	vsel vm0, $0xFFFFFFFF, v2;
	vm1 =	vgt.s32 v16, $0x0  }
0x168: {  	v60 =	vnsel vm1, $0x0, v16;
	vm12 =	vle.f32 v58, v11;
	vm1 =	vmneg vm11  }
0x169: {  	v12 =	vadd.s32 v61, v18;
	v11 =	vsel vm1, $0xFFFFFFFF, v2;
	vm0 =	vmneg vm12  }
0x16a: {  	vm13 =	vgt.s32 v12, $0x0;
	v11 =	vadd.s32 v11, v15;
	v62 =	vsel vm0, $0xFFFFFFFF, v2  }
0x16b: {  	[tilespmem:s13+$0x2D60] =	vst v60;
	v12 =	vnsel vm13, $0x0, v12;
	vm14 =	vgt.s32 v11, $0x0;
	v63 =	vadd.s32 v62, v17  }
0x16c: {  	[tilespmem:s13+$0x2D70] =	vst v12;
	v11 =	vnsel vm14, $0x0, v11;
	vm15 =	vgt.s32 v63, $0x0  }
0x16d: {  	[tilespmem:s13+$0x2D80] =	vst v11;
	v11 =	vnsel vm15, $0x0, v63  }
0x16e: {  	s3 =	sadd.s32 $0x2D60, s13;
	[tilespmem:s13+$0x2D90] =	vst v11  }
0x16f: {  	[tilespmem:s20], [sflag:$0x2] =	stream.indirect.gather [hbm4b:s6+s18], $0x20, s3, s18, $0xb8;
	[tilespmem:$0x81C0] =	vst v63  }
.LBB2_10:
0x170: {  	_ =	swait.ge [sflag:s24], $0x800  }
0x171: {  	[sflag:s24] =	ssyncset.done $0x0  }
0x172: {  	[sflag:s24] =	ssyncadd.s32 $0xFFFFF800  }
0x173: {  	v11 =	vld [tilespmem:s13+$0x2B20]  }
0x174: {  	v13 =	vld.idx.msk [tilespmem:v8+s21+$0x0], $0xffff  }
0x175: {  	v12 =	vld [tilespmem:s13+$0x2B30]  }
0x176: {  	v9 =	vld.idx.msk [tilespmem:v9+s21+$0x0], $0xffff;
	_ =	sdelay $0x1  }
0x177: {  	v8 =	vld [tilespmem:s13+$0x2B40]  }
0x178: {  	v10 =	vld.idx.msk [tilespmem:v10+s21+$0x0], $0xffff  }
0x179: {  	v7 =	vld.idx.msk [tilespmem:v7+s21+$0x0], $0xffff;
	vm0 =	vle.f32 v13, v11  }
0x17a: {  	vm9 =	vle.f32 v9, v12;
	v9 =	vld [tilespmem:s13+$0x2B50];
	v13 =	vsel vm0, $0x20, v2  }
0x17b: {  	v15 =	vsel vm9, $0x20, v2;
	v14 =	vor.u32 $0x10, v13  }
0x17c: {  	v17 =	vor.u32 $0x10, v15;
	v16 =	vmin.u32 v14, $0x20  }
0x17d: {  	v18 =	vmin.u32 v17, $0x20;
	v16 =	vadd.s32 v4, v16  }
0x17e: {  	vm10 =	vle.f32 v10, v8;
	v18 =	vadd.s32 v6, v18  }
0x17f: {  	v10 =	vsel vm10, $0x20, v2;
	vm11 =	vle.f32 v7, v9  }
0x180: {  	v53 =	vor.u32 $0x10, v10;
	v19 =	vsel vm11, $0x20, v2  }
0x181: {  	v20 =	vmin.u32 v53, $0x20;
	v21 =	vor.u32 $0x10, v19  }
0x182: {  	v20 =	vadd.s32 v3, v20;
	v22 =	vmin.u32 v21, $0x20;
	v16 =	vld.idx.msk [tilespmem:v16+s21+$0x0], $0xffff  }
0x183: {  	v18 =	vld.idx.msk [tilespmem:v18+s21+$0x0], $0xffff;
	v22 =	vadd.s32 v5, v22;
	_ =	sdelay $0x3  }
0x184: {  	vm12 =	vlt.u32 v14, $0x21;
	v54 =	vld.idx.msk [tilespmem:v20+s21+$0x0], $0xffff;
	vm1 =	vle.f32 v16, v11  }
0x185: {  	vm13 =	vlt.u32 v17, $0x21;
	vm2 =	vle.f32 v18, v12;
	v55 =	vld.idx.msk [tilespmem:v22+s21+$0x0], $0xffff;
	vm0 =	vmand vm1, vm12  }
0x186: {  	vm14 =	vmand vm2, vm13;
	v13 =	vsel vm0, v14, v13  }
0x187: {  	vm15 =	vlt.u32 v53, $0x21;
	v15 =	vsel vm14, v17, v15;
	v56 =	vor.u32 $0x8, v13  }
0x188: {  	vm5 =	vlt.u32 v21, $0x21;
	v58 =	vor.u32 $0x8, v15;
	v57 =	vmin.u32 v56, $0x20  }
0x189: {  	vm4 =	vle.f32 v54, v8;
	v59 =	vmin.u32 v58, $0x20;
	v17 =	vadd.s32 v4, v57  }
0x18a: {  	vm0 =	vmand vm4, vm15;
	v22 =	vadd.s32 v6, v59;
	vm6 =	vle.f32 v55, v9  }
0x18b: {  	v7 =	vsel vm0, v53, v10;
	vm7 =	vmand vm6, vm5  }
0x18c: {  	v10 =	vor.u32 $0x8, v7;
	v60 =	vsel vm7, v21, v19  }
0x18d: {  	v62 =	vmin.u32 v10, $0x20;
	v19 =	vor.u32 $0x8, v60  }
0x18e: {  	v24 =	vmin.u32 v19, $0x20;
	v61 =	vld.idx.msk [tilespmem:v17+s21+$0x0], $0xffff;
	v17 =	vadd.s32 v3, v62  }
0x18f: {  	v63 =	vld.idx.msk [tilespmem:v22+s21+$0x0], $0xffff;
	v22 =	vadd.s32 v5, v24;
	_ =	sdelay $0x3  }
0x190: {  	vm8 =	vlt.u32 v56, $0x21;
	vm9 =	vle.f32 v61, v11;
	v25 =	vld.idx.msk [tilespmem:v17+s21+$0x0], $0xffff  }
0x191: {  	vm10 =	vlt.u32 v58, $0x21;
	vm11 =	vle.f32 v63, v12;
	v26 =	vld.idx.msk [tilespmem:v22+s21+$0x0], $0xffff;
	vm0 =	vmand vm9, vm8  }
0x192: {  	vm12 =	vmand vm11, vm10;
	v13 =	vsel vm0, v56, v13  }
0x193: {  	vm13 =	vlt.u32 v10, $0x21;
	v15 =	vsel vm12, v58, v15;
	v18 =	vor.u32 $0x4, v13  }
0x194: {  	vm15 =	vlt.u32 v19, $0x21;
	v28 =	vor.u32 $0x4, v15;
	v27 =	vmin.u32 v18, $0x20  }
0x195: {  	v29 =	vmin.u32 v28, $0x20;
	v20 =	vadd.s32 v4, v27;
	vm14 =	vle.f32 v25, v8  }
0x196: {  	v22 =	vadd.s32 v6, v29;
	vm4 =	vle.f32 v26, v9;
	vm0 =	vmand vm14, vm13  }
0x197: {  	vm5 =	vmand vm4, vm15;
	v7 =	vsel vm0, v10, v7  }
0x198: {  	v14 =	vsel vm5, v19, v60;
	v10 =	vor.u32 $0x4, v7  }
0x199: {  	v19 =	vor.u32 $0x4, v14;
	v31 =	vmin.u32 v10, $0x20  }
0x19a: {  	v33 =	vmin.u32 v19, $0x20;
	v30 =	vld.idx.msk [tilespmem:v20+s21+$0x0], $0xffff;
	v17 =	vadd.s32 v3, v31  }
0x19b: {  	v32 =	vld.idx.msk [tilespmem:v22+s21+$0x0], $0xffff;
	v22 =	vadd.s32 v5, v33;
	_ =	sdelay $0x3  }
0x19c: {  	vm6 =	vlt.u32 v18, $0x21;
	vm7 =	vle.f32 v30, v11;
	v34 =	vld.idx.msk [tilespmem:v17+s21+$0x0], $0xffff  }
0x19d: {  	vm8 =	vlt.u32 v28, $0x21;
	vm9 =	vle.f32 v32, v12;
	v35 =	vld.idx.msk [tilespmem:v22+s21+$0x0], $0xffff;
	vm0 =	vmand vm7, vm6  }
0x19e: {  	vm10 =	vmand vm9, vm8;
	v13 =	vsel vm0, v18, v13  }
0x19f: {  	vm11 =	vlt.u32 v10, $0x21;
	v15 =	vsel vm10, v28, v15;
	v18 =	vadd.s32 $0x2, v13  }
0x1a0: {  	vm13 =	vlt.u32 v19, $0x21;
	v21 =	vadd.s32 $0x2, v15;
	v36 =	vmin.u32 v18, $0x20  }
0x1a1: {  	v37 =	vmin.u32 v21, $0x20;
	v20 =	vadd.s32 v4, v36;
	vm12 =	vle.f32 v34, v8  }
0x1a2: {  	v22 =	vadd.s32 v6, v37;
	vm14 =	vle.f32 v35, v9;
	vm0 =	vmand vm12, vm11  }
0x1a3: {  	vm15 =	vmand vm14, vm13;
	v7 =	vsel vm0, v10, v7  }
0x1a4: {  	v14 =	vsel vm15, v19, v14;
	v10 =	vadd.s32 $0x2, v7  }
0x1a5: {  	v19 =	vadd.s32 $0x2, v14;
	v39 =	vmin.u32 v10, $0x20  }
0x1a6: {  	v41 =	vmin.u32 v19, $0x20;
	v38 =	vld.idx.msk [tilespmem:v20+s21+$0x0], $0xffff;
	v17 =	vadd.s32 v3, v39  }
0x1a7: {  	v40 =	vld.idx.msk [tilespmem:v22+s21+$0x0], $0xffff;
	v22 =	vadd.s32 v5, v41;
	_ =	sdelay $0x3  }
0x1a8: {  	vm5 =	vlt.u32 v13, $0x1F;
	vm4 =	vle.f32 v38, v11;
	v42 =	vld.idx.msk [tilespmem:v17+s21+$0x0], $0xffff  }
0x1a9: {  	vm6 =	vlt.u32 v15, $0x1F;
	vm7 =	vle.f32 v40, v12;
	v43 =	vld.idx.msk [tilespmem:v22+s21+$0x0], $0xffff;
	vm0 =	vmand vm4, vm5  }
0x1aa: {  	vm8 =	vmand vm7, vm6;
	v13 =	vsel vm0, v18, v13  }
0x1ab: {  	vm9 =	vlt.u32 v7, $0x1F;
	v15 =	vsel vm8, v21, v15;
	v18 =	vadd.s32 $0x1, v13  }
0x1ac: {  	vm11 =	vlt.u32 v14, $0x1F;
	v21 =	vadd.s32 $0x1, v15;
	v44 =	vmin.u32 v18, $0x20  }
0x1ad: {  	v46 =	vmin.u32 v21, $0x20;
	v45 =	vadd.s32 v4, v44;
	vm10 =	vle.f32 v42, v8  }
0x1ae: {  	v47 =	vadd.s32 v6, v46;
	vm12 =	vle.f32 v43, v9;
	vm0 =	vmand vm10, vm9  }
0x1af: {  	v51 =	vld [tilespmem:s13+$0x2D20];
	vm13 =	vmand vm12, vm11;
	v7 =	vsel vm0, v10, v7  }
0x1b0: {  	v53 =	vld [tilespmem:s13+$0x2D30];
	v14 =	vsel vm13, v19, v14;
	v10 =	vadd.s32 $0x1, v7  }
0x1b1: {  	v59 =	vld [tilespmem:s13+$0x2D50];
	v49 =	vadd.s32 $0x1, v14;
	v48 =	vmin.u32 v10, $0x20  }
0x1b2: {  	v50 =	vmin.u32 v49, $0x20;
	v4 =	vld.idx.msk [tilespmem:v45+s21+$0x0], $0xffff;
	v3 =	vadd.s32 v3, v48  }
0x1b3: {  	v6 =	vld.idx.msk [tilespmem:v47+s21+$0x0], $0xffff;
	v52 =	vadd.s32 v5, v50  }
0x1b4: {  	v58 =	vld [tilespmem:s13+$0x2D40];
	_ =	sdelay $0x1  }
0x1b5: {  	v55 =	vshll.u32 v51, $0x5;
	v57 =	vshll.u32 v53, $0x5  }
0x1b6: {  	v62 =	vshll.u32 v59, $0x5;
	vm15 =	vlt.u32 v13, $0x20;
	vm14 =	vle.f32 v4, v11;
	v3 =	vld.idx.msk [tilespmem:v3+s21+$0x0], $0xffff  }
0x1b7: {  	vm5 =	vlt.u32 v15, $0x20;
	vm4 =	vle.f32 v6, v12;
	v5 =	vld.idx.msk [tilespmem:v52+s21+$0x0], $0xffff;
	vm0 =	vmand vm14, vm15  }
0x1b8: {  	v60 =	vshll.u32 v58, $0x5;
	vm6 =	vmand vm4, vm5;
	v54 =	vsel vm0, v18, v13  }
0x1b9: {  	vm9 =	vlt.u32 v7, $0x20;
	v56 =	vsel vm6, v21, v15;
	v4 =	vadd.s32 v55, v54  }
0x1ba: {  	vm11 =	vlt.u32 v14, $0x20;
	v6 =	vadd.s32 v57, v56;
	vm7 =	veq.s32 v4, $0x0  }
0x1bb: {  	v4 =	vadd.s32 $0xFFFFFFFF, v4;
	vm8 =	veq.s32 v6, $0x0;
	vm10 =	vle.f32 v3, v8  }
0x1bc: {  	v6 =	vadd.s32 $0xFFFFFFFF, v6;
	vm12 =	vle.f32 v5, v9;
	vm0 =	vmand vm10, vm9  }
0x1bd: {  	v4 =	vsel vm7, $0x1869F, v4;
	vm13 =	vmand vm12, vm11;
	v3 =	vsel vm0, v10, v7  }
0x1be: {  	v6 =	vsel vm8, $0x1869F, v6;
	v61 =	vsel vm13, v49, v14;
	v3 =	vadd.s32 v60, v3  }
0x1bf: {  	[tilespmem:s13+$0x2F20] =	vst v4;
	v63 =	vadd.s32 v62, v61;
	vm14 =	veq.s32 v3, $0x0;
	v3 =	vadd.s32 $0xFFFFFFFF, v3  }
0x1c0: {  	[tilespmem:s13+$0x2F30] =	vst v6;
	vm15 =	veq.s32 v63, $0x0;
	v4 =	vadd.s32 $0xFFFFFFFF, v63;
	v3 =	vsel vm14, $0x1869F, v3  }
0x1c1: {  	[tilespmem:s13+$0x2F40] =	vst v3;
	v3 =	vsel vm15, $0x1869F, v4  }
0x1c2: {  	[tilespmem:s13+$0x2F50] =	vst v3  }
0x1c3: {  	_ =	swait.ge [sflag:s25], $0x2000  }
0x1c4: {  	[sflag:s25] =	ssyncset.done $0x0  }
0x1c5: {  	s3 =	sadd.s32 s12, s2;
	[sflag:s25] =	ssyncadd.s32 $0xFFFFE000  }
0x1c6: {  	[hbm4b:s3+s5] =	stream.linear.scatter [tilespmem:s23], [sflag:$0x6], $0x2000, $0x38;
	[tilespmem:$0x81C0] =	vst v63  }
0x1c7: {  	s3 =	simm.s32 @!p0 $0x7  }
0x1c8: {  	_ =	swait.ge @!p0 [sflag:s3], $0x2000  }
0x1c9: {  	s0 =	sadd.s32 $0x200, s0;
	[sflag:s3] =	ssyncset.done @!p0 $0x0  }
0x1ca: {  	[sflag:s3] =	ssyncadd.s32 @!p0 $0xFFFFE000;
	p0 =	sne.s32 s0, $0x800  }
.Ltmp5:
0x1cb: {  	_ = 	snop;
	(pc) =	sbr.rel @!p0 .LBB2_11-.Ltmp5, $3  }
0x1cc: {  	_ =	sdelay $0x1  }
0x1cd: {  	s7 =	sadd.s32 $0x2F20, s13;
	s12 =	sadd.s32 $0x800, s12  }
0x1ce: {  	[tilespmem:s26], [sflag:$0x5] =	stream.indirect.gather [hbm4b:s1+s18], $0x80, s7, s18, $0xb8;
	[tilespmem:$0x81C0] =	vst v63  }
.LBB2_6:
0x1cf: {  	p0 =	seq.s32 s0, $0x0  }
0x1d0: {  	s3 =	simm.s32 @!p0 $0x5  }
0x1d1: {  	_ =	swait.ge @!p0 [sflag:s3], $0x2000  }
0x1d2: {  	s7 =	sadd.s32 @!p0 $0x1FFFFC00, s12;
	[sflag:s3] =	ssyncset.done @!p0 $0x0  }
0x1d3: {  	s13 =	sshra.s32 s0, $0x2;
	[sflag:s3] =	ssyncadd.s32 @!p0 $0xFFFFE000;
	s3 =	sand.u32 @!p0 $0x1FFFFC00, s7  }
0x1d4: {  	s8 =	simm.s32 @!p0 $0x60E0;
	s7 =	simm.s32 @!p0 $0x0;
	s3 =	sadd.s32 @!p0 s2, s3  }
0x1d5: {  	[hbm4b:s3+s7] =	stream.linear.scatter @!p0 [tilespmem:s8], [sflag:$0x7], $0x2000, $0x38;
	[tilespmem:$0x81C0] =	vst v63  }
0x1d6: {  	v6 =	vld [tilespmem:s13+$0x2B20]  }
0x1d7: {  	v7 =	vld.idx.msk [tilespmem:v1+s5+$0x0], $0xffff;
	_ =	sdelay $0x2  }
0x1d8: {  	v5 =	vld [tilespmem:s13+$0x2B30];
	_ =	sdelay $0x1  }
0x1d9: {  	v4 =	vld [tilespmem:s13+$0x2B40];
	vm0 =	vle.f32 v7, v6  }
0x1da: {  	v3 =	vld [tilespmem:s13+$0x2B50];
	v8 =	vsel vm0, $0x800, v2  }
0x1db: {  	v9 =	vor.u32 $0x3FF, v8  }
0x1dc: {  	vm11 =	vle.f32 v7, v5  }
0x1dd: {  	v10 =	vsel vm11, $0x800, v2  }
0x1de: {  	vm12 =	vle.f32 v7, v4;
	v11 =	vor.u32 $0x3FF, v10  }
0x1df: {  	vm13 =	vle.f32 v7, v3;
	v12 =	vsel vm12, $0x800, v2  }
0x1e0: {  	v13 =	vsel vm13, $0x800, v2;
	v7 =	vld.idx.msk [tilespmem:v9+s5+$0x0], $0xffff;
	v9 =	vor.u32 $0x3FF, v12  }
0x1e1: {  	v14 =	vor.u32 $0x3FF, v13;
	_ =	sdelay $0x1  }
0x1e2: {  	v11 =	vld.idx.msk [tilespmem:v11+s5+$0x0], $0xffff;
	_ =	sdelay $0x1  }
0x1e3: {  	v15 =	vor.u32 $0x400, v8;
	vm14 =	vle.f32 v7, v6;
	v7 =	vld.idx.msk [tilespmem:v9+s5+$0x0], $0xffff  }
0x1e4: {  	v9 =	vld.idx.msk [tilespmem:v14+s5+$0x0], $0xffff;
	v8 =	vsel vm14, v15, v8  }
0x1e5: {  	v33 =	vor.u32 $0x1FF, v8  }
0x1e6: {  	v34 =	vor.u32 $0x400, v10;
	vm15 =	vle.f32 v11, v5  }
0x1e7: {  	v10 =	vsel vm15, v34, v10  }
0x1e8: {  	v35 =	vor.u32 $0x400, v12;
	v11 =	vor.u32 $0x1FF, v10;
	vm4 =	vle.f32 v7, v4  }
0x1e9: {  	v36 =	vor.u32 $0x400, v13;
	vm5 =	vle.f32 v9, v3;
	v7 =	vsel vm4, v35, v12  }
0x1ea: {  	v12 =	vsel vm5, v36, v13;
	v9 =	vld.idx.msk [tilespmem:v33+s5+$0x0], $0xffff;
	v37 =	vor.u32 $0x1FF, v7  }
0x1eb: {  	v13 =	vor.u32 $0x1FF, v12;
	_ =	sdelay $0x1  }
0x1ec: {  	v11 =	vld.idx.msk [tilespmem:v11+s5+$0x0], $0xffff;
	_ =	sdelay $0x1  }
0x1ed: {  	v38 =	vor.u32 $0x200, v8;
	vm6 =	vle.f32 v9, v6;
	v9 =	vld.idx.msk [tilespmem:v37+s5+$0x0], $0xffff  }
0x1ee: {  	v13 =	vld.idx.msk [tilespmem:v13+s5+$0x0], $0xffff;
	v8 =	vsel vm6, v38, v8  }
0x1ef: {  	v39 =	vor.u32 $0x100, v8  }
0x1f0: {  	v16 =	vor.u32 $0x200, v10;
	vm7 =	vle.f32 v11, v5;
	v40 =	vmin.u32 v39, $0xE00  }
0x1f1: {  	v10 =	vsel vm7, v16, v10;
	v11 =	vadd.s32 $0xFFFFFFFF, v40  }
0x1f2: {  	v42 =	vor.u32 $0x200, v7;
	v41 =	vor.u32 $0x100, v10;
	vm8 =	vle.f32 v9, v4  }
0x1f3: {  	v9 =	vor.u32 $0x200, v12;
	vm9 =	vle.f32 v13, v3;
	v7 =	vsel vm8, v42, v7  }
0x1f4: {  	v43 =	vmin.u32 v41, $0xE00;
	v9 =	vsel vm9, v9, v12;
	v16 =	vor.u32 $0x100, v7  }
0x1f5: {  	v44 =	vadd.s32 $0xFFFFFFFF, v43;
	v17 =	vor.u32 $0x100, v9;
	v45 =	vmin.u32 v16, $0xE00  }
0x1f6: {  	v18 =	vmin.u32 v17, $0xE00;
	v11 =	vld.idx.msk [tilespmem:v11+s5+$0x0], $0xffff;
	v13 =	vadd.s32 $0xFFFFFFFF, v45  }
0x1f7: {  	v18 =	vadd.s32 $0xFFFFFFFF, v18;
	_ =	sdelay $0x2  }
0x1f8: {  	v12 =	vld.idx.msk [tilespmem:v44+s5+$0x0], $0xffff  }
0x1f9: {  	vm10 =	vle.f32 v11, v6;
	v11 =	vld.idx.msk [tilespmem:v13+s5+$0x0], $0xffff  }
0x1fa: {  	v46 =	vld.idx.msk [tilespmem:v18+s5+$0x0], $0xffff;
	v8 =	vsel vm10, v39, v8  }
0x1fb: {  	v14 =	vadd.s32 $0x80, v8  }
0x1fc: {  	v47 =	vmin.u32 v14, $0xE00  }
0x1fd: {  	vm11 =	vle.f32 v12, v5;
	v18 =	vadd.s32 $0xFFFFFFFF, v47  }
0x1fe: {  	v10 =	vsel vm11, v41, v10;
	vm12 =	vle.f32 v11, v4  }
0x1ff: {  	v11 =	vadd.s32 $0x80, v10;
	vm13 =	vle.f32 v46, v3;
	v7 =	vsel vm12, v16, v7  }
0x200: {  	v48 =	vmin.u32 v11, $0xE00;
	v9 =	vsel vm13, v17, v9;
	v49 =	vadd.s32 $0x80, v7  }
0x201: {  	v12 =	vadd.s32 $0xFFFFFFFF, v48;
	v51 =	vadd.s32 $0x80, v9;
	v50 =	vmin.u32 v49, $0xE00  }
0x202: {  	v53 =	vmin.u32 v51, $0xE00;
	v52 =	vld.idx.msk [tilespmem:v18+s5+$0x0], $0xffff;
	v15 =	vadd.s32 $0xFFFFFFFF, v50  }
0x203: {  	v18 =	vadd.s32 $0xFFFFFFFF, v53;
	_ =	sdelay $0x2  }
0x204: {  	v12 =	vld.idx.msk [tilespmem:v12+s5+$0x0], $0xffff  }
0x205: {  	vm14 =	vle.f32 v52, v6;
	v15 =	vld.idx.msk [tilespmem:v15+s5+$0x0], $0xffff  }
0x206: {  	v54 =	vld.idx.msk [tilespmem:v18+s5+$0x0], $0xffff;
	v8 =	vsel vm14, v14, v8  }
0x207: {  	v55 =	vadd.s32 $0x40, v8  }
0x208: {  	v56 =	vmin.u32 v55, $0xE00  }
0x209: {  	vm15 =	vle.f32 v12, v5;
	v18 =	vadd.s32 $0xFFFFFFFF, v56  }
0x20a: {  	v10 =	vsel vm15, v11, v10;
	vm4 =	vle.f32 v15, v4  }
0x20b: {  	v11 =	vadd.s32 $0x40, v10;
	vm5 =	vle.f32 v54, v3;
	v7 =	vsel vm4, v49, v7  }
0x20c: {  	v57 =	vmin.u32 v11, $0xE00;
	v9 =	vsel vm5, v51, v9;
	v13 =	vadd.s32 $0x40, v7  }
0x20d: {  	v12 =	vadd.s32 $0xFFFFFFFF, v57;
	v59 =	vadd.s32 $0x40, v9;
	v58 =	vmin.u32 v13, $0xE00  }
0x20e: {  	v61 =	vmin.u32 v59, $0xE00;
	v60 =	vld.idx.msk [tilespmem:v18+s5+$0x0], $0xffff;
	v14 =	vadd.s32 $0xFFFFFFFF, v58  }
0x20f: {  	v18 =	vadd.s32 $0xFFFFFFFF, v61;
	_ =	sdelay $0x2  }
0x210: {  	v12 =	vld.idx.msk [tilespmem:v12+s5+$0x0], $0xffff  }
0x211: {  	vm6 =	vle.f32 v60, v6;
	v14 =	vld.idx.msk [tilespmem:v14+s5+$0x0], $0xffff  }
0x212: {  	v62 =	vld.idx.msk [tilespmem:v18+s5+$0x0], $0xffff;
	v8 =	vsel vm6, v55, v8  }
0x213: {  	v17 =	vadd.s32 $0x20, v8  }
0x214: {  	v63 =	vmin.u32 v17, $0xE00  }
0x215: {  	vm7 =	vle.f32 v12, v5;
	v18 =	vadd.s32 $0xFFFFFFFF, v63  }
0x216: {  	v10 =	vsel vm7, v11, v10;
	vm8 =	vle.f32 v14, v4  }
0x217: {  	v11 =	vadd.s32 $0x20, v10;
	vm9 =	vle.f32 v62, v3;
	v7 =	vsel vm8, v13, v7  }
0x218: {  	v19 =	vmin.u32 v11, $0xE00;
	v9 =	vsel vm9, v59, v9;
	v13 =	vadd.s32 $0x20, v7  }
0x219: {  	v12 =	vadd.s32 $0xFFFFFFFF, v19;
	v15 =	vadd.s32 $0x20, v9;
	v20 =	vmin.u32 v13, $0xE00  }
0x21a: {  	v22 =	vmin.u32 v15, $0xE00;
	v21 =	vld.idx.msk [tilespmem:v18+s5+$0x0], $0xffff;
	v14 =	vadd.s32 $0xFFFFFFFF, v20  }
0x21b: {  	v18 =	vadd.s32 $0xFFFFFFFF, v22;
	_ =	sdelay $0x2  }
0x21c: {  	v12 =	vld.idx.msk [tilespmem:v12+s5+$0x0], $0xffff  }
0x21d: {  	vm10 =	vle.f32 v21, v6;
	v14 =	vld.idx.msk [tilespmem:v14+s5+$0x0], $0xffff  }
0x21e: {  	v23 =	vld.idx.msk [tilespmem:v18+s5+$0x0], $0xffff;
	v8 =	vsel vm10, v17, v8  }
0x21f: {  	v17 =	vadd.s32 $0x10, v8  }
0x220: {  	v24 =	vmin.u32 v17, $0xE00  }
0x221: {  	vm11 =	vle.f32 v12, v5;
	v18 =	vadd.s32 $0xFFFFFFFF, v24  }
0x222: {  	v10 =	vsel vm11, v11, v10;
	vm12 =	vle.f32 v14, v4  }
0x223: {  	v11 =	vadd.s32 $0x10, v10;
	vm13 =	vle.f32 v23, v3;
	v7 =	vsel vm12, v13, v7  }
0x224: {  	v25 =	vmin.u32 v11, $0xE00;
	v9 =	vsel vm13, v15, v9;
	v13 =	vadd.s32 $0x10, v7  }
0x225: {  	v12 =	vadd.s32 $0xFFFFFFFF, v25;
	v15 =	vadd.s32 $0x10, v9;
	v26 =	vmin.u32 v13, $0xE00  }
0x226: {  	v28 =	vmin.u32 v15, $0xE00;
	v27 =	vld.idx.msk [tilespmem:v18+s5+$0x0], $0xffff;
	v14 =	vadd.s32 $0xFFFFFFFF, v26  }
0x227: {  	v18 =	vadd.s32 $0xFFFFFFFF, v28;
	_ =	sdelay $0x2  }
0x228: {  	v12 =	vld.idx.msk [tilespmem:v12+s5+$0x0], $0xffff  }
0x229: {  	vm14 =	vle.f32 v27, v6;
	v14 =	vld.idx.msk [tilespmem:v14+s5+$0x0], $0xffff  }
0x22a: {  	v29 =	vld.idx.msk [tilespmem:v18+s5+$0x0], $0xffff;
	v8 =	vsel vm14, v17, v8  }
0x22b: {  	v17 =	vadd.s32 $0x8, v8  }
0x22c: {  	v30 =	vmin.u32 v17, $0xE00  }
0x22d: {  	vm15 =	vle.f32 v12, v5;
	v18 =	vadd.s32 $0xFFFFFFFF, v30  }
0x22e: {  	v10 =	vsel vm15, v11, v10;
	vm4 =	vle.f32 v14, v4  }
0x22f: {  	v11 =	vadd.s32 $0x8, v10;
	vm5 =	vle.f32 v29, v3;
	v7 =	vsel vm4, v13, v7  }
0x230: {  	v31 =	vmin.u32 v11, $0xE00;
	v9 =	vsel vm5, v15, v9;
	v13 =	vadd.s32 $0x8, v7  }
0x231: {  	v12 =	vadd.s32 $0xFFFFFFFF, v31;
	v15 =	vadd.s32 $0x8, v9;
	v32 =	vmin.u32 v13, $0xE00  }
0x232: {  	v34 =	vmin.u32 v15, $0xE00;
	v33 =	vld.idx.msk [tilespmem:v18+s5+$0x0], $0xffff;
	v14 =	vadd.s32 $0xFFFFFFFF, v32  }
0x233: {  	v18 =	vadd.s32 $0xFFFFFFFF, v34;
	_ =	sdelay $0x2  }
0x234: {  	v12 =	vld.idx.msk [tilespmem:v12+s5+$0x0], $0xffff  }
0x235: {  	vm6 =	vle.f32 v33, v6;
	v14 =	vld.idx.msk [tilespmem:v14+s5+$0x0], $0xffff  }
0x236: {  	v35 =	vld.idx.msk [tilespmem:v18+s5+$0x0], $0xffff;
	v8 =	vsel vm6, v17, v8  }
0x237: {  	v17 =	vadd.s32 $0x4, v8  }
0x238: {  	v36 =	vmin.u32 v17, $0xE00  }
0x239: {  	vm7 =	vle.f32 v12, v5;
	v18 =	vadd.s32 $0xFFFFFFFF, v36  }
0x23a: {  	v10 =	vsel vm7, v11, v10;
	vm8 =	vle.f32 v14, v4  }
0x23b: {  	v11 =	vadd.s32 $0x4, v10;
	vm9 =	vle.f32 v35, v3;
	v7 =	vsel vm8, v13, v7  }
0x23c: {  	v37 =	vmin.u32 v11, $0xE00;
	v9 =	vsel vm9, v15, v9;
	v13 =	vadd.s32 $0x4, v7  }
0x23d: {  	v12 =	vadd.s32 $0xFFFFFFFF, v37;
	v15 =	vadd.s32 $0x4, v9;
	v38 =	vmin.u32 v13, $0xE00  }
0x23e: {  	v40 =	vmin.u32 v15, $0xE00;
	v39 =	vld.idx.msk [tilespmem:v18+s5+$0x0], $0xffff;
	v14 =	vadd.s32 $0xFFFFFFFF, v38  }
0x23f: {  	v18 =	vadd.s32 $0xFFFFFFFF, v40;
	_ =	sdelay $0x2  }
0x240: {  	v12 =	vld.idx.msk [tilespmem:v12+s5+$0x0], $0xffff  }
0x241: {  	vm10 =	vle.f32 v39, v6;
	v14 =	vld.idx.msk [tilespmem:v14+s5+$0x0], $0xffff  }
0x242: {  	v41 =	vld.idx.msk [tilespmem:v18+s5+$0x0], $0xffff;
	v8 =	vsel vm10, v17, v8  }
0x243: {  	v17 =	vadd.s32 $0x2, v8  }
0x244: {  	v42 =	vmin.u32 v17, $0xE00  }
0x245: {  	vm11 =	vle.f32 v12, v5;
	v18 =	vadd.s32 $0xFFFFFFFF, v42  }
0x246: {  	v10 =	vsel vm11, v11, v10;
	vm12 =	vle.f32 v14, v4  }
0x247: {  	v11 =	vadd.s32 $0x2, v10;
	vm13 =	vle.f32 v41, v3;
	v7 =	vsel vm12, v13, v7  }
0x248: {  	v43 =	vmin.u32 v11, $0xE00;
	v9 =	vsel vm13, v15, v9;
	v13 =	vadd.s32 $0x2, v7  }
0x249: {  	v12 =	vadd.s32 $0xFFFFFFFF, v43;
	v15 =	vadd.s32 $0x2, v9;
	v44 =	vmin.u32 v13, $0xE00  }
0x24a: {  	v46 =	vmin.u32 v15, $0xE00;
	v45 =	vld.idx.msk [tilespmem:v18+s5+$0x0], $0xffff;
	v14 =	vadd.s32 $0xFFFFFFFF, v44  }
0x24b: {  	v18 =	vadd.s32 $0xFFFFFFFF, v46;
	_ =	sdelay $0x2  }
0x24c: {  	v12 =	vld.idx.msk [tilespmem:v12+s5+$0x0], $0xffff  }
0x24d: {  	vm14 =	vle.f32 v45, v6;
	v14 =	vld.idx.msk [tilespmem:v14+s5+$0x0], $0xffff  }
0x24e: {  	v47 =	vld.idx.msk [tilespmem:v18+s5+$0x0], $0xffff;
	v8 =	vsel vm14, v17, v8  }
0x24f: {  	v17 =	vmin.u32 v8, $0xDFF;
	_ =	sdelay $0x1  }
0x250: {  	vm15 =	vle.f32 v12, v5  }
0x251: {  	v10 =	vsel vm15, v11, v10;
	vm4 =	vle.f32 v14, v4  }
0x252: {  	v11 =	vmin.u32 v10, $0xDFF;
	vm5 =	vle.f32 v47, v3;
	v7 =	vsel vm4, v13, v7  }
0x253: {  	v9 =	vsel vm5, v15, v9;
	v48 =	vld.idx.msk [tilespmem:v17+s5+$0x0], $0xffff;
	v13 =	vmin.u32 v7, $0xDFF  }
0x254: {  	v49 =	vmin.u32 v9, $0xDFF;
	_ =	sdelay $0x2  }
0x255: {  	v11 =	vld.idx.msk [tilespmem:v11+s5+$0x0], $0xffff  }
0x256: {  	vm6 =	vle.f32 v48, v6;
	v6 =	vld.idx.msk [tilespmem:v13+s5+$0x0], $0xffff  }
0x257: {  	v50 =	vld.idx.msk [tilespmem:v49+s5+$0x0], $0xffff;
	vm0 =	vmneg vm6  }
0x258: {  	v51 =	vsel vm0, $0xFFFFFFFF, v2  }
0x259: {  	v8 =	vadd.s32 v51, v8  }
0x25a: {  	vm1 =	vle.f32 v11, v5;
	vm7 =	vgt.s32 v8, $0x0  }
0x25b: {  	vm8 =	vmneg vm1;
	v5 =	vnsel vm7, $0x0, v8;
	vm9 =	vle.f32 v6, v4  }
0x25c: {  	v4 =	vsel vm8, $0xFFFFFFFF, v2;
	vm11 =	vle.f32 v50, v3;
	vm10 =	vmneg vm9  }
0x25d: {  	v3 =	vadd.s32 v4, v10;
	vm12 =	vmneg vm11;
	v4 =	vsel vm10, $0xFFFFFFFF, v2  }
0x25e: {  	vm13 =	vgt.s32 v3, $0x0;
	v6 =	vsel vm12, $0xFFFFFFFF, v2;
	v4 =	vadd.s32 v4, v7  }
0x25f: {  	[tilespmem:s13+$0x2D20] =	vst v5;
	v3 =	vnsel vm13, $0x0, v3;
	v5 =	vadd.s32 v6, v9;
	vm14 =	vgt.s32 v4, $0x0  }
0x260: {  	[tilespmem:s13+$0x2D30] =	vst v3;
	vm15 =	vgt.s32 v5, $0x0;
	v3 =	vnsel vm14, $0x0, v4  }
0x261: {  	[tilespmem:s13+$0x2D40] =	vst v3;
	v3 =	vnsel vm15, $0x0, v5  }
0x262: {  	s19 =	sadd.s32 $0x2D20, s13;
	[tilespmem:s13+$0x2D50] =	vst v3  }
0x263: {  	v8 =	vor.u32 $0x1F, v0;
	[tilespmem:s21], [sflag:$0x3] =	stream.indirect.gather [hbm4b:s6+s18], $0x20, s19, s18, $0xb8;
	[tilespmem:$0x81C0] =	vst v63  }
0x264: {  	_ =	swait.ge [sflag:s22], $0x800  }
0x265: {  	[sflag:s22] =	ssyncset.done $0x0  }
0x266: {  	v9 =	vor.u32 $0x21F, v0;
	[sflag:s22] =	ssyncadd.s32 $0xFFFFF800  }
0x267: {  	v14 =	vld [tilespmem:s13+$0x2AE0]  }
0x268: {  	v3 =	vld.idx.msk [tilespmem:v8+s20+$0x0], $0xffff  }
0x269: {  	v10 =	vor.u32 $0x41F, v0  }
0x26a: {  	v7 =	vor.u32 $0x61F, v0;
	v13 =	vld [tilespmem:s13+$0x2AF0]  }
0x26b: {  	v4 =	vld.idx.msk [tilespmem:v9+s20+$0x0], $0xffff  }
0x26c: {  	v11 =	vld [tilespmem:s13+$0x2B00]  }
0x26d: {  	v12 =	vld [tilespmem:s13+$0x2B10];
	vm4 =	vle.f32 v3, v14  }
0x26e: {  	v3 =	vld.idx.msk [tilespmem:v10+s20+$0x0], $0xffff;
	v52 =	vsel vm4, $0x20, v2  }
0x26f: {  	v55 =	vld.idx.msk [tilespmem:v7+s20+$0x0], $0xffff;
	v53 =	vor.u32 $0x10, v52  }
0x270: {  	vm5 =	vle.f32 v4, v13;
	v4 =	vadd.s32 $0xFFFFFFFF, v0;
	v5 =	vmin.u32 v53, $0x20  }
0x271: {  	v54 =	vsel vm5, $0x20, v2;
	v5 =	vadd.s32 v4, v5  }
0x272: {  	v19 =	vor.u32 $0x10, v54  }
0x273: {  	v6 =	vadd.s32 $0x1FF, v0;
	v20 =	vmin.u32 v19, $0x20;
	vm6 =	vle.f32 v3, v11  }
0x274: {  	vm7 =	vle.f32 v55, v12;
	v20 =	vadd.s32 v6, v20;
	v21 =	vsel vm6, $0x20, v2  }
0x275: {  	v23 =	vsel vm7, $0x20, v2;
	v22 =	vor.u32 $0x10, v21  }
0x276: {  	v25 =	vor.u32 $0x10, v23;
	v3 =	vadd.s32 $0x3FF, v0;
	v56 =	vld.idx.msk [tilespmem:v5+s20+$0x0], $0xffff;
	v5 =	vmin.u32 v22, $0x20  }
0x277: {  	v26 =	vmin.u32 v25, $0x20;
	v24 =	vadd.s32 v3, v5;
	v5 =	vadd.s32 $0x5FF, v0  }
0x278: {  	v26 =	vadd.s32 v5, v26  }
0x279: {  	v20 =	vld.idx.msk [tilespmem:v20+s20+$0x0], $0xffff;
	_ =	sdelay $0x2  }
0x27a: {  	vm8 =	vlt.u32 v53, $0x21;
	vm9 =	vle.f32 v56, v14;
	v57 =	vld.idx.msk [tilespmem:v24+s20+$0x0], $0xffff  }
0x27b: {  	vm0 =	vmand vm9, vm8;
	v58 =	vld.idx.msk [tilespmem:v26+s20+$0x0], $0xffff  }
0x27c: {  	vm10 =	vlt.u32 v19, $0x21;
	vm11 =	vle.f32 v20, v13;
	v15 =	vsel vm0, v53, v52  }
0x27d: {  	vm14 =	vlt.u32 v25, $0x21;
	vm0 =	vmand vm11, vm10;
	v16 =	vor.u32 $0x8, v15  }
0x27e: {  	vm12 =	vlt.u32 v22, $0x21;
	v17 =	vsel vm0, v19, v54;
	v59 =	vmin.u32 v16, $0x20  }
0x27f: {  	v61 =	vor.u32 $0x8, v17;
	v60 =	vadd.s32 v4, v59;
	vm13 =	vle.f32 v57, v11  }
0x280: {  	v62 =	vmin.u32 v61, $0x20;
	vm0 =	vmand vm13, vm12;
	vm15 =	vle.f32 v58, v12  }
0x281: {  	v63 =	vadd.s32 v6, v62;
	v21 =	vsel vm0, v22, v21;
	vm0 =	vmand vm15, vm14  }
0x282: {  	v28 =	vor.u32 $0x8, v21;
	v23 =	vsel vm0, v25, v23  }
0x283: {  	v29 =	vmin.u32 v28, $0x20;
	v25 =	vor.u32 $0x8, v23  }
0x284: {  	v19 =	vld.idx.msk [tilespmem:v60+s20+$0x0], $0xffff;
	v22 =	vadd.s32 v3, v29;
	v30 =	vmin.u32 v25, $0x20  }
0x285: {  	v26 =	vadd.s32 v5, v30  }
0x286: {  	v18 =	vld.idx.msk [tilespmem:v63+s20+$0x0], $0xffff;
	_ =	sdelay $0x2  }
0x287: {  	vm4 =	vlt.u32 v16, $0x21;
	vm5 =	vle.f32 v19, v14;
	v31 =	vld.idx.msk [tilespmem:v22+s20+$0x0], $0xffff  }
0x288: {  	vm0 =	vmand vm5, vm4;
	v32 =	vld.idx.msk [tilespmem:v26+s20+$0x0], $0xffff  }
0x289: {  	vm6 =	vlt.u32 v61, $0x21;
	vm7 =	vle.f32 v18, v13;
	v15 =	vsel vm0, v16, v15  }
0x28a: {  	vm8 =	vlt.u32 v28, $0x21;
	vm0 =	vmand vm7, vm6;
	v16 =	vor.u32 $0x4, v15  }
0x28b: {  	vm10 =	vlt.u32 v25, $0x21;
	v17 =	vsel vm0, v61, v17;
	v33 =	vmin.u32 v16, $0x20  }
0x28c: {  	v24 =	vor.u32 $0x4, v17;
	v22 =	vadd.s32 v4, v33;
	vm9 =	vle.f32 v31, v11  }
0x28d: {  	v34 =	vmin.u32 v24, $0x20;
	vm0 =	vmand vm9, vm8;
	vm11 =	vle.f32 v32, v12  }
0x28e: {  	v35 =	vadd.s32 v6, v34;
	v20 =	vsel vm0, v28, v21;
	vm0 =	vmand vm11, vm10  }
0x28f: {  	v36 =	vor.u32 $0x4, v20;
	v23 =	vsel vm0, v25, v23  }
0x290: {  	v38 =	vmin.u32 v36, $0x20;
	v25 =	vor.u32 $0x4, v23  }
0x291: {  	v37 =	vld.idx.msk [tilespmem:v22+s20+$0x0], $0xffff;
	v22 =	vadd.s32 v3, v38;
	v39 =	vmin.u32 v25, $0x20  }
0x292: {  	v26 =	vadd.s32 v5, v39  }
0x293: {  	v19 =	vld.idx.msk [tilespmem:v35+s20+$0x0], $0xffff;
	_ =	sdelay $0x2  }
0x294: {  	vm12 =	vlt.u32 v16, $0x21;
	vm13 =	vle.f32 v37, v14;
	v40 =	vld.idx.msk [tilespmem:v22+s20+$0x0], $0xffff  }
0x295: {  	vm0 =	vmand vm13, vm12;
	v41 =	vld.idx.msk [tilespmem:v26+s20+$0x0], $0xffff  }
0x296: {  	vm14 =	vlt.u32 v24, $0x21;
	vm15 =	vle.f32 v19, v13;
	v15 =	vsel vm0, v16, v15  }
0x297: {  	vm4 =	vlt.u32 v36, $0x21;
	vm0 =	vmand vm15, vm14;
	v16 =	vadd.s32 $0x2, v15  }
0x298: {  	vm6 =	vlt.u32 v25, $0x21;
	v17 =	vsel vm0, v24, v17;
	v42 =	vmin.u32 v16, $0x20  }
0x299: {  	v24 =	vadd.s32 $0x2, v17;
	v22 =	vadd.s32 v4, v42;
	vm5 =	vle.f32 v40, v11  }
0x29a: {  	v43 =	vmin.u32 v24, $0x20;
	vm0 =	vmand vm5, vm4;
	vm7 =	vle.f32 v41, v12  }
0x29b: {  	v44 =	vadd.s32 v6, v43;
	v18 =	vsel vm0, v36, v20;
	vm0 =	vmand vm7, vm6  }
0x29c: {  	v20 =	vadd.s32 $0x2, v18;
	v23 =	vsel vm0, v25, v23  }
0x29d: {  	v45 =	vmin.u32 v20, $0x20;
	v25 =	vadd.s32 $0x2, v23  }
0x29e: {  	v21 =	vadd.s32 v3, v45;
	v46 =	vmin.u32 v25, $0x20  }
0x29f: {  	v22 =	vld.idx.msk [tilespmem:v22+s20+$0x0], $0xffff;
	v26 =	vadd.s32 v5, v46  }
0x2a0: {  	v19 =	vld.idx.msk [tilespmem:v44+s20+$0x0], $0xffff;
	_ =	sdelay $0x2  }
0x2a1: {  	v21 =	vld.idx.msk [tilespmem:v21+s20+$0x0], $0xffff  }
0x2a2: {  	vm8 =	vlt.u32 v15, $0x1F;
	vm9 =	vle.f32 v22, v14;
	v47 =	vld.idx.msk [tilespmem:v26+s20+$0x0], $0xffff  }
0x2a3: {  	vm10 =	vlt.u32 v17, $0x1F;
	vm0 =	vmand vm9, vm8;
	vm11 =	vle.f32 v19, v13  }
0x2a4: {  	vm12 =	vlt.u32 v18, $0x1F;
	v15 =	vsel vm0, v16, v15;
	vm0 =	vmand vm11, vm10  }
0x2a5: {  	vm14 =	vlt.u32 v23, $0x1F;
	v48 =	vadd.s32 $0x1, v15;
	v17 =	vsel vm0, v24, v17  }
0x2a6: {  	v49 =	vmin.u32 v48, $0x20;
	v50 =	vadd.s32 $0x1, v17;
	vm13 =	vle.f32 v21, v11  }
0x2a7: {  	v19 =	vadd.s32 v4, v49;
	vm0 =	vmand vm13, vm12;
	vm15 =	vle.f32 v47, v12  }
0x2a8: {  	v51 =	vmin.u32 v50, $0x20;
	v18 =	vsel vm0, v20, v18;
	vm0 =	vmand vm15, vm14  }
0x2a9: {  	v16 =	vadd.s32 v6, v51;
	v20 =	vadd.s32 $0x1, v18;
	v23 =	vsel vm0, v25, v23  }
0x2aa: {  	v27 =	vld [tilespmem:s13+$0x2CE0];
	v52 =	vmin.u32 v20, $0x20;
	v25 =	vadd.s32 $0x1, v23  }
0x2ab: {  	v55 =	vld [tilespmem:s13+$0x2D00];
	v24 =	vadd.s32 v3, v52;
	v53 =	vmin.u32 v25, $0x20  }
0x2ac: {  	v19 =	vld.idx.msk [tilespmem:v19+s20+$0x0], $0xffff;
	v26 =	vadd.s32 v5, v53  }
0x2ad: {  	v54 =	vld [tilespmem:s13+$0x2CF0]  }
0x2ae: {  	v16 =	vld.idx.msk [tilespmem:v16+s20+$0x0], $0xffff  }
0x2af: {  	v58 =	vld [tilespmem:s13+$0x2D10]  }
0x2b0: {  	v56 =	vshll.u32 v27, $0x5;
	vm5 =	vlt.u32 v15, $0x20;
	v24 =	vld.idx.msk [tilespmem:v24+s20+$0x0], $0xffff  }
0x2b1: {  	vm6 =	vlt.u32 v17, $0x20;
	vm9 =	vlt.u32 v18, $0x20;
	vm4 =	vle.f32 v19, v14;
	v26 =	vld.idx.msk [tilespmem:v26+s20+$0x0], $0xffff  }
0x2b2: {  	vm11 =	vlt.u32 v23, $0x20;
	v14 =	vshll.u32 v54, $0x5;
	vm0 =	vmand vm4, vm5  }
0x2b3: {  	vm2 =	vle.f32 v16, v13;
	v13 =	vshll.u32 v55, $0x5;
	v15 =	vsel vm0, v48, v15  }
0x2b4: {  	vm7 =	vmand vm2, vm6;
	v57 =	vadd.s32 v56, v15;
	v15 =	vshll.u32 v58, $0x5  }
0x2b5: {  	vm12 =	veq.s32 v57, $0x0;
	vm8 =	vle.f32 v24, v11;
	v11 =	vsel vm7, v50, v17  }
0x2b6: {  	vm0 =	vmand vm8, vm9;
	vm10 =	vle.f32 v26, v12;
	v11 =	vadd.s32 v14, v11  }
0x2b7: {  	v12 =	vadd.s32 $0xFFFFFFFF, v57;
	v59 =	vsel vm0, v20, v18;
	vm0 =	vmand vm10, vm11  }
0x2b8: {  	p1 =	sne.s32 s0, $0x0;
	vm13 =	veq.s32 v11, $0x0;
	v11 =	vadd.s32 $0xFFFFFFFF, v11;
	v12 =	vsel vm12, $0x1869F, v12  }
.Ltmp6:
0x2b9: {  	v13 =	vadd.s32 v13, v59;
	v60 =	vsel vm0, v25, v23;
	v11 =	vsel vm13, $0x1869F, v11;
	(pc) =	sbr.rel @!p1 .LBB2_7-.Ltmp6, $4  }
0x2ba: {  	[tilespmem:s13+$0x2EE0] =	vst v12;
	vm14 =	veq.s32 v13, $0x0;
	v61 =	vadd.s32 $0xFFFFFFFF, v13;
	v62 =	vadd.s32 v15, v60  }
0x2bb: {  	[tilespmem:s13+$0x2EF0] =	vst v11;
	v11 =	vsel vm14, $0x1869F, v61;
	vm15 =	veq.s32 v62, $0x0;
	v63 =	vadd.s32 $0xFFFFFFFF, v62  }
0x2bc: {  	[tilespmem:s13+$0x2F00] =	vst v11;
	v11 =	vsel vm15, $0x1869F, v63  }
0x2bd: {  	s16 =	sadd.s32 $0x2EE0, s13;
	[tilespmem:s13+$0x2F10] =	vst v11  }
0x2be: {  	p1 =	seq.s32 s0, $0x600  }
.Ltmp7:
0x2bf: {  	_ = 	snop;
	(pc) =	sbr.rel @p1 .LBB2_10-.Ltmp7, $4  }
.Ltmp8:
0x2c0: {  	_ =	swait.ge [sflag:s29], $0x2000;
	(pc) =	sbr.rel @!p1 .LBB2_9-.Ltmp8, $4  }
0x2c1: {  	[sflag:s29] =	ssyncset.done $0x0  }
0x2c2: {  	[sflag:s29] =	ssyncadd.s32 $0xFFFFE000  }
0x2c3: {  	[tilespmem:s23], [sflag:$0x4] =	stream.indirect.gather [hbm4b:s1+s18], $0x80, s16, s18, $0xb8;
	[tilespmem:$0x81C0] =	vst v63  }
0x2c4: {  	_ = 	snop  }
.LBB2_12:
0x2c5: {  	_ =	sfence.sel $0x180000  }
0x2c6: {  	[bflag:$0x0] =	sbarrier.arrive $0xFFFF  }
0x2c7: {  	_ =	strace $0x90000047  }
0x2c8: {  	s0 =	stileid.u32;
	[bflag:$0x2] =	sbarrier.arrive $0xFFFF  }
0x2c9: {  	p0 =	sne.s32 s0, $0x0;
	s0 =	rddreg [dreg:$0x5]  }
0x2ca: {  	s0 =	sadd.s32 @!p0 $0x100000, s0  }
0x2cb: {  	[sflag:s0] =	ssyncadd.tile.s32 @!p0 $0x1;
	_ =	shalt  }
.Lfunc_end2:
_tile_overlayer_lowered:
.L_overlay_start_2:
0x2cc: {  	(tag) =	ssettag $0x2  }
0x2cd: {  	s0 =	rddreg [dreg:$0x0];
	s2 =	stileid.u32  }
0x2ce: {  	s1 =	rddreg [dreg:$0x1];
	p0 =	sne.s32 s2, $0x0  }
0x2cf: {  	s3 =	rddreg [dreg:$0x2];
	[bflag:$0x3] =	sbarrier.arrive $0xFFFF;
	s2 =	simm.s32 @!p0 $0x1C08  }
0x2d0: {  	[timem:s3], [sflag:s2] =	dma.local @!p0 [hbm:s0], s1  }
0x2d1: {  	s0 =	simm.s32 @!p0 $0x8  }
0x2d2: {  	_ =	swait.ge @!p0 [sflag:s0], s1  }
0x2d3: {  	s1 =	ssub.s32 @!p0 $0x0, s1;
	[sflag:s0] =	ssyncset.done @!p0 $0x0  }
0x2d4: {  	[sflag:s0] =	ssyncadd.s32 @!p0 s1  }
0x2d5: {  	[bflag:$0x3] =	sbarrier.arrive $0xFFFF  }
0x2d6: {  	_ =	shalt  }

</sc_bundles>
